<compile_context>
chip_gen: v7x
topology: tpu7x:2x2x1
jax: 0.10.2.dev20260603
libtpu: 0.0.44.dev20260713+nightly
codegen_flags: <defaults>
</compile_context>

<pallas_src>
import functools

import jax
import jax.numpy as jnp
from jax import lax
from jax.experimental import pallas as pl
from jax.experimental.pallas import tpu as pltpu
from jax.experimental.pallas import tpu_sc as plsc

_R = 200
_K = 45
_G = 200
_THRESH = 0.5
_LANES = 16


def _dense_body(conf_ref, obj_ref, istar_ref, p1_ref, cm_ref):
    x = conf_ref[...]
    root = x[:, :_R, :]
    m0 = jnp.max(root, axis=1, keepdims=True)
    ci = lax.broadcasted_iota(jnp.int32, root.shape, 1)
    istar_ref[0, 0, 0, :] = jnp.min(jnp.where(root >= m0, ci, _R),
                                    axis=1)[0, :]
    p1_ref[0, 0, 0, :] = (obj_ref[...] * m0)[0, 0, :]
    m = conf_ref[:, _R:_R + _G * _K:_K, :]
    jm = jnp.zeros(m.shape, jnp.float32)
    for j in range(1, _K):
        v = conf_ref[:, _R + j:_R + _G * _K:_K, :]
        gt = v > m
        m = jnp.where(gt, v, m)
        jm = jnp.where(gt, jnp.float32(j), jm)
    cm_ref[0, 0, :_G, :] = m[0]
    cm_ref[0, 0, _G:, :] = jm[0]


def _out_body(fn_ref, fp_ref, out_ref, *, bc, c_out, S, SP):
    n = pl.program_id(0)
    cb = pl.program_id(1)
    shape = out_ref.shape
    ci = lax.broadcasted_iota(jnp.int32, shape, 1) + cb * bc
    fn = fn_ref[pl.ds(n * SP, SP)][:S][None, None, :]
    fp = fp_ref[pl.ds(n * SP, SP)][:S][None, None, :]
    cif = ci.astype(jnp.float32)
    hit = jnp.logical_or(cif == fn, ci == c_out - 1)
    out_ref[...] = jnp.where(hit, fp, jnp.zeros(shape, jnp.float32))


def _make_sc_kernel(P, lpw, nc, ns, S, mesh):
    nb = lpw // _LANES

    def _sc_body(cm_t, istar_h, p1_h, base_h, fn_h, fp_h,
                 istar_v, p1_v, base_v, idx_v, vals_v, fn_v, fp_v,
                 sem):
        wid = lax.axis_index("s") * nc + lax.axis_index("c")
        off = jnp.minimum(wid * lpw, P - lpw)
        pltpu.sync_copy(istar_h.at[pl.ds(off, lpw)], istar_v)
        pltpu.sync_copy(p1_h.at[pl.ds(off, lpw)], p1_v)
        pltpu.sync_copy(base_h.at[pl.ds(off, lpw)], base_v)
        for b in range(nb):
            sl = pl.ds(b * _LANES, _LANES)
            ist = jnp.clip(istar_v[sl], 0, _G - 1)
            cmi = base_v[sl] + ist * 128
            idx_v[sl] = cmi
            idx_v[pl.ds(lpw + b * _LANES, _LANES)] = cmi + _G * 128
        pltpu.async_copy(cm_t.at[idx_v], vals_v, sem).wait()
        for b in range(nb):
            sl = pl.ds(b * _LANES, _LANES)
            istf = istar_v[sl].astype(jnp.float32)
            p1b = p1_v[sl]
            p2 = p1b * vals_v[sl]
            jmf = vals_v[pl.ds(lpw + b * _LANES, _LANES)]
            take = jnp.logical_and(p1b > _THRESH, p2 > _THRESH)
            fn_v[sl] = jnp.where(take, (_R + istf * _K) + jmf, istf)
            fp_v[sl] = jnp.where(take, p2, p1b)
        pltpu.sync_copy(fn_v, fn_h.at[pl.ds(off, lpw)])
        pltpu.sync_copy(fp_v, fp_h.at[pl.ds(off, lpw)])

    return pl.kernel(
        _sc_body,
        out_type=[jax.ShapeDtypeStruct((P,), jnp.float32),
                  jax.ShapeDtypeStruct((P,), jnp.float32)],
        mesh=mesh,
        scratch_types=[
            pltpu.VMEM((lpw,), jnp.int32),
            pltpu.VMEM((lpw,), jnp.float32),
            pltpu.VMEM((lpw,), jnp.int32),
            pltpu.VMEM((2 * lpw,), jnp.int32),
            pltpu.VMEM((2 * lpw,), jnp.float32),
            pltpu.VMEM((lpw,), jnp.float32),
            pltpu.VMEM((lpw,), jnp.float32),
            pltpu.SemaphoreType.DMA,
        ],
    )


def kernel(conf, obj):
    N, C, S = conf.shape
    NS = N * S

    bS = 128
    nsb = -(-S // bS)
    i_star, p1, cm = pl.pallas_call(
        _dense_body,
        grid=(N, nsb),
        in_specs=[
            pl.BlockSpec((1, C, bS), lambda n, sb: (n, 0, sb)),
            pl.BlockSpec((1, 1, bS), lambda n, sb: (n, 0, sb)),
        ],
        out_specs=[
            pl.BlockSpec((1, 1, 1, bS), lambda n, sb: (n, sb, 0, 0)),
            pl.BlockSpec((1, 1, 1, bS), lambda n, sb: (n, sb, 0, 0)),
            pl.BlockSpec((1, 1, 2 * _G, bS), lambda n, sb: (n, sb, 0, 0)),
        ],
        out_shape=[jax.ShapeDtypeStruct((N, nsb, 1, bS), jnp.int32),
                   jax.ShapeDtypeStruct((N, nsb, 1, bS), jnp.float32),
                   jax.ShapeDtypeStruct((N, nsb, 2 * _G, bS), jnp.float32)],
        compiler_params=pltpu.CompilerParams(
            dimension_semantics=("parallel", "parallel")),
    )(conf, obj.reshape(N, 1, S))

    mesh = plsc.VectorSubcoreMesh(core_axis_name="c", subcore_axis_name="s")
    nc, ns = mesh.num_cores, mesh.num_subcores
    nw = nc * ns
    SP = -(-S // 128) * 128
    P = N * SP
    lpw = -(-P // nw)
    lpw = -(-lpw // _LANES) * _LANES

    i = jnp.arange(P, dtype=jnp.int32)
    n_ = i // SP
    s_ = jnp.minimum(i - n_ * SP, S - 1)
    base = ((n_ * nsb + s_ // 128) * (2 * _G)) * 128 + s_ % 128

    cm_t = cm.reshape(-1)

    sc_fn = _make_sc_kernel(P, lpw, nc, ns, S, mesh)
    fn_p, fp_p = sc_fn(cm_t, i_star.reshape(-1), p1.reshape(-1), base)

    c_out = C + 1
    bc = 2304
    n_cb = -(-c_out // bc)
    out = pl.pallas_call(
        functools.partial(_out_body, bc=bc, c_out=c_out, S=S, SP=SP),
        grid=(N, n_cb),
        in_specs=[
            pl.BlockSpec((P,), lambda n, cb: (0,)),
            pl.BlockSpec((P,), lambda n, cb: (0,)),
        ],
        out_specs=pl.BlockSpec((1, bc, S), lambda n, cb: (n, cb, 0)),
        out_shape=jax.ShapeDtypeStruct((N, c_out, S), jnp.float32),
        compiler_params=pltpu.CompilerParams(
            dimension_semantics=("parallel", "parallel")),
    )(fn_p, fp_p)
    return out

# --- scband reference (transcript-rebuilt; emitter-appended) ---
"""Pipeline reference for scband-softmax-tree-prediction-86122684219469 (READ-ONLY COPY).

The authoritative reference and input builder live on the scoring server;
editing this copy changes nothing except your own understanding.
"""

import jax, jax.numpy as jnp
import numpy as np

# Tree structure (YOLO9000-scale two-level hierarchy, root_size=0):
#   group 0: R root nodes (offset 0, size R)
#   node i in root has child group (1+i) with K children at offset R + i*K, child_sizes=1
#   child nodes are leaves (child=-1)
R = 200
K = 45
NODE_COUNT = R + R * K  # 9200
THRESHOLD = 0.5
APPEND_MAX = True
BATCH = 4
SPATIAL = 676  # 26x26 feature map


def setup_inputs(seed: int = 0) -> dict:
    key = jax.random.key(seed)
    k1, k2 = jax.random.split(key)
    conf = jax.random.uniform(k1, (BATCH, NODE_COUNT, SPATIAL), dtype=jnp.float32)
    obj = jax.random.uniform(k2, (BATCH, SPATIAL), dtype=jnp.float32)
    return {"conf": conf, "obj": obj}


def reference(conf, obj):
    # conf: [N, node_count, S] per-group probabilities; obj: [N, S] objectness
    N, C, S = conf.shape
    conf_t = jnp.transpose(conf, (0, 2, 1))  # [N, S, C]
    # --- root group: argmax over the R root nodes ---
    root = conf_t[:, :, :R]
    i_star = jnp.argmax(root, axis=-1)               # [N, S] winning root node
    m0 = jnp.max(root, axis=-1)                      # [N, S]
    p1 = obj * m0                                    # accumulated path prob at root winner
    # --- descend into the winner's child group (gather of K contiguous nodes) ---
    start = R + i_star * K                           # child group offset per location
    child_idx = start[..., None] + jnp.arange(K)     # [N, S, K]
    child_block = jnp.take_along_axis(conf_t, child_idx, axis=-1)
    j_star = jnp.argmax(child_block, axis=-1)        # [N, S]
    m1 = jnp.max(child_block, axis=-1)
    p2 = p1 * m1
    # darknet-style hierarchy_top_prediction with threshold:
    #   descend only if p1 > threshold; accept child only if p2 > threshold,
    #   otherwise fall back to the parent node with prob p1
    descend = p1 > THRESHOLD
    take_child = jnp.logical_and(descend, p2 > THRESHOLD)
    final_node = jnp.where(take_child, start + j_star, i_star)   # [N, S]
    final_prob = jnp.where(take_child, p2, p1)                   # [N, S]
    # --- scatter prediction into output channels (+1 channel for append_max) ---
    out_C = C + (1 if APPEND_MAX else 0)
    out = jnp.zeros((N, S, out_C), dtype=conf.dtype)
    bi = jnp.arange(N)[:, None]
    si = jnp.arange(S)[None, :]
    out = out.at[bi, si, final_node].set(final_prob)
    if APPEND_MAX:
        out = out.at[:, :, C].set(final_prob)
    return jnp.transpose(out, (0, 2, 1))  # [N, node_count+1, S]

if __name__ == "__main__":
    import jax
    _d = setup_inputs()
    print(jax.jit(kernel)(*tuple(_d.values())))

</pallas_src>

<mosaic_0001>
#map = affine_map<(d0, d1) -> (0)>
module attributes {stable_mosaic.version = 14 : i64} {
  func.func @_sc_body(%arg0: i32, %arg1: i32, %arg2: memref<1228800xf32, #tpu.memory_space<hbm>>, %arg3: memref<3072xi32, #tpu.memory_space<hbm>>, %arg4: memref<3072xf32, #tpu.memory_space<hbm>>, %arg5: memref<3072xi32, #tpu.memory_space<hbm>>, %arg6: memref<3072xf32, #tpu.memory_space<hbm>>, %arg7: memref<3072xf32, #tpu.memory_space<hbm>>, %arg8: memref<96xi32, #tpu.memory_space<vmem>>, %arg9: memref<96xf32, #tpu.memory_space<vmem>>, %arg10: memref<96xi32, #tpu.memory_space<vmem>>, %arg11: memref<192xi32, #tpu.memory_space<vmem>>, %arg12: memref<192xf32, #tpu.memory_space<vmem>>, %arg13: memref<96xf32, #tpu.memory_space<vmem>>, %arg14: memref<96xf32, #tpu.memory_space<vmem>>, %arg15: memref<!tpu.dma_semaphore, #tpu.memory_space<semaphore_mem>>) attributes {dimension_semantics = [#tpu.dimension_semantics<core_parallel>, #tpu.dimension_semantics<subcore_parallel>], iteration_bounds = array<i64: 2, 16>, scalar_prefetch = 0 : i64, scratch_operands = 8 : i64, tpu.core_type = #tpu.core_type<sc_vector_subcore>, window_params = [{transform_indices = #map}, {transform_indices = #map}, {transform_indices = #map}, {transform_indices = #map}, {transform_indices = #map}, {transform_indices = #map}]} {
    %mul3A = arith.constant 2 : i32
    %mul3A_0 = arith.muli %arg1, %mul3A : i32
    %add3A = arith.addi %mul3A_0, %arg0 : i32
    %mul3A_1 = arith.constant 96 : i32
    %mul3A_2 = arith.muli %add3A, %mul3A_1 : i32
    %min3A = arith.constant 2976 : i32
    %min3A_3 = arith.minsi %mul3A_2, %min3A : i32
    "tpu.region"() ({
      %run_scoped3A = tpu.sem_alloc : memref<!tpu.dma_semaphore, #tpu.memory_space<semaphore_mem>>
      %dma_start3A_388 = tpu.memref_slice %arg3[%min3A_3] : memref<3072xi32, #tpu.memory_space<hbm>> -> memref<96xi32, #tpu.memory_space<hbm>>
      %dma_start3A_389 = tpu.memref_slice %arg3[%min3A_3] : memref<3072xi32, #tpu.memory_space<hbm>> -> memref<96xi32, #tpu.memory_space<hbm>>
      tpu.enqueue_dma source(%dma_start3A_389 : memref<96xi32, #tpu.memory_space<hbm>>) target(%arg8 : memref<96xi32, #tpu.memory_space<vmem>>) target_semaphore(%run_scoped3A : memref<!tpu.dma_semaphore, #tpu.memory_space<semaphore_mem>>)
      %dma_wait3A_390 = tpu.memref_slice %arg3[%min3A_3] : memref<3072xi32, #tpu.memory_space<hbm>> -> memref<96xi32, #tpu.memory_space<hbm>>
      %dma_wait3A_391 = tpu.memref_slice %arg3[%min3A_3] : memref<3072xi32, #tpu.memory_space<hbm>> -> memref<96xi32, #tpu.memory_space<hbm>>
      tpu.wait_dma2 semaphore(%run_scoped3A : memref<!tpu.dma_semaphore, #tpu.memory_space<semaphore_mem>>) src(%dma_wait3A_391 : memref<96xi32, #tpu.memory_space<hbm>>) dst(%arg8 : memref<96xi32, #tpu.memory_space<vmem>>)
      tpu.yield
    }) : () -> ()
    "tpu.region"() ({
      %run_scoped3A = tpu.sem_alloc : memref<!tpu.dma_semaphore, #tpu.memory_space<semaphore_mem>>
      %dma_start3A_388 = tpu.memref_slice %arg4[%min3A_3] : memref<3072xf32, #tpu.memory_space<hbm>> -> memref<96xf32, #tpu.memory_space<hbm>>
      %dma_start3A_389 = tpu.memref_slice %arg4[%min3A_3] : memref<3072xf32, #tpu.memory_space<hbm>> -> memref<96xf32, #tpu.memory_space<hbm>>
      tpu.enqueue_dma source(%dma_start3A_389 : memref<96xf32, #tpu.memory_space<hbm>>) target(%arg9 : memref<96xf32, #tpu.memory_space<vmem>>) target_semaphore(%run_scoped3A : memref<!tpu.dma_semaphore, #tpu.memory_space<semaphore_mem>>)
      %dma_wait3A_390 = tpu.memref_slice %arg4[%min3A_3] : memref<3072xf32, #tpu.memory_space<hbm>> -> memref<96xf32, #tpu.memory_space<hbm>>
      %dma_wait3A_391 = tpu.memref_slice %arg4[%min3A_3] : memref<3072xf32, #tpu.memory_space<hbm>> -> memref<96xf32, #tpu.memory_space<hbm>>
      tpu.wait_dma2 semaphore(%run_scoped3A : memref<!tpu.dma_semaphore, #tpu.memory_space<semaphore_mem>>) src(%dma_wait3A_391 : memref<96xf32, #tpu.memory_space<hbm>>) dst(%arg9 : memref<96xf32, #tpu.memory_space<vmem>>)
      tpu.yield
    }) : () -> ()
    "tpu.region"() ({
      %run_scoped3A = tpu.sem_alloc : memref<!tpu.dma_semaphore, #tpu.memory_space<semaphore_mem>>
      %dma_start3A_388 = tpu.memref_slice %arg5[%min3A_3] : memref<3072xi32, #tpu.memory_space<hbm>> -> memref<96xi32, #tpu.memory_space<hbm>>
      %dma_start3A_389 = tpu.memref_slice %arg5[%min3A_3] : memref<3072xi32, #tpu.memory_space<hbm>> -> memref<96xi32, #tpu.memory_space<hbm>>
      tpu.enqueue_dma source(%dma_start3A_389 : memref<96xi32, #tpu.memory_space<hbm>>) target(%arg10 : memref<96xi32, #tpu.memory_space<vmem>>) target_semaphore(%run_scoped3A : memref<!tpu.dma_semaphore, #tpu.memory_space<semaphore_mem>>)
      %dma_wait3A_390 = tpu.memref_slice %arg5[%min3A_3] : memref<3072xi32, #tpu.memory_space<hbm>> -> memref<96xi32, #tpu.memory_space<hbm>>
      %dma_wait3A_391 = tpu.memref_slice %arg5[%min3A_3] : memref<3072xi32, #tpu.memory_space<hbm>> -> memref<96xi32, #tpu.memory_space<hbm>>
      tpu.wait_dma2 semaphore(%run_scoped3A : memref<!tpu.dma_semaphore, #tpu.memory_space<semaphore_mem>>) src(%dma_wait3A_391 : memref<96xi32, #tpu.memory_space<hbm>>) dst(%arg10 : memref<96xi32, #tpu.memory_space<vmem>>)
      tpu.yield
    }) : () -> ()
    %get3A = arith.constant 0 : index
    %get3A_4 = tpu.vector_load %arg8[%get3A] {strides = array<i32>} : memref<96xi32, #tpu.memory_space<vmem>>, vector<16xi32>,
    %get3A_5 = vector.shape_cast %get3A_4 : vector<16xi32> to vector<16xi32>
    %jit3A = arith.constant 0 : i32
    %jit3A_6 = arith.constant 199 : i32
    %max3A = vector.broadcast %jit3A : i32 to vector<16xi32>
    %max3A_7 = arith.maxsi %max3A, %get3A_5 : vector<16xi32>
    %min3A_8 = vector.broadcast %jit3A_6 : i32 to vector<16xi32>
    %min3A_9 = arith.minsi %min3A_8, %max3A_7 : vector<16xi32>
    %get3A_10 = arith.constant 0 : index
    %get3A_11 = tpu.vector_load %arg10[%get3A_10] {strides = array<i32>} : memref<96xi32, #tpu.memory_space<vmem>>, vector<16xi32>,
    %get3A_12 = vector.shape_cast %get3A_11 : vector<16xi32> to vector<16xi32>
    %mul3A_13 = arith.constant 128 : i32
    %mul3A_14 = vector.broadcast %mul3A_13 : i32 to vector<16xi32>
    %mul3A_15 = arith.muli %min3A_9, %mul3A_14 : vector<16xi32>
    %add3A_16 = arith.addi %get3A_12, %mul3A_15 : vector<16xi32>
    %swap3A = arith.constant 0 : index
    %swap3A_17 = tpu.vector_load %arg11[%swap3A] {strides = array<i32>} : memref<192xi32, #tpu.memory_space<vmem>>, vector<16xi32>,
    %swap3A_18 = vector.shape_cast %swap3A_17 : vector<16xi32> to vector<16xi32>
    %swap3A_19 = vector.shape_cast %add3A_16 : vector<16xi32> to vector<16xi32>
    tpu.vector_store %arg11[%swap3A], %swap3A_19 {strides = array<i32>} : memref<192xi32, #tpu.memory_space<vmem>>, vector<16xi32>,
    %add3A_20 = arith.constant 25600 : i32
    %add3A_21 = vector.broadcast %add3A_20 : i32 to vector<16xi32>
    %add3A_22 = arith.addi %add3A_16, %add3A_21 : vector<16xi32>
    %swap3A_23 = arith.constant 96 : index
    %swap3A_24 = tpu.vector_load %arg11[%swap3A_23] {strides = array<i32>} : memref<192xi32, #tpu.memory_space<vmem>>, vector<16xi32>,
    %swap3A_25 = vector.shape_cast %swap3A_24 : vector<16xi32> to vector<16xi32>
    %swap3A_26 = vector.shape_cast %add3A_22 : vector<16xi32> to vector<16xi32>
    tpu.vector_store %arg11[%swap3A_23], %swap3A_26 {strides = array<i32>} : memref<192xi32, #tpu.memory_space<vmem>>, vector<16xi32>,
    %get3A_27 = arith.constant 16 : index
    %get3A_28 = tpu.vector_load %arg8[%get3A_27] {strides = array<i32>} : memref<96xi32, #tpu.memory_space<vmem>>, vector<16xi32>,
    %get3A_29 = vector.shape_cast %get3A_28 : vector<16xi32> to vector<16xi32>
    %jit3A_30 = arith.constant 0 : i32
    %jit3A_31 = arith.constant 199 : i32
    %max3A_32 = vector.broadcast %jit3A_30 : i32 to vector<16xi32>
    %max3A_33 = arith.maxsi %max3A_32, %get3A_29 : vector<16xi32>
    %min3A_34 = vector.broadcast %jit3A_31 : i32 to vector<16xi32>
    %min3A_35 = arith.minsi %min3A_34, %max3A_33 : vector<16xi32>
    %get3A_36 = arith.constant 16 : index
    %get3A_37 = tpu.vector_load %arg10[%get3A_36] {strides = array<i32>} : memref<96xi32, #tpu.memory_space<vmem>>, vector<16xi32>,
    %get3A_38 = vector.shape_cast %get3A_37 : vector<16xi32> to vector<16xi32>
    %mul3A_39 = arith.constant 128 : i32
    %mul3A_40 = vector.broadcast %mul3A_39 : i32 to vector<16xi32>
    %mul3A_41 = arith.muli %min3A_35, %mul3A_40 : vector<16xi32>
    %add3A_42 = arith.addi %get3A_38, %mul3A_41 : vector<16xi32>
    %swap3A_43 = arith.constant 16 : index
    %swap3A_44 = tpu.vector_load %arg11[%swap3A_43] {strides = array<i32>} : memref<192xi32, #tpu.memory_space<vmem>>, vector<16xi32>,
    %swap3A_45 = vector.shape_cast %swap3A_44 : vector<16xi32> to vector<16xi32>
    %swap3A_46 = vector.shape_cast %add3A_42 : vector<16xi32> to vector<16xi32>
    tpu.vector_store %arg11[%swap3A_43], %swap3A_46 {strides = array<i32>} : memref<192xi32, #tpu.memory_space<vmem>>, vector<16xi32>,
    %add3A_47 = arith.constant 25600 : i32
    %add3A_48 = vector.broadcast %add3A_47 : i32 to vector<16xi32>
    %add3A_49 = arith.addi %add3A_42, %add3A_48 : vector<16xi32>
    %swap3A_50 = arith.constant 112 : index
    %swap3A_51 = tpu.vector_load %arg11[%swap3A_50] {strides = array<i32>} : memref<192xi32, #tpu.memory_space<vmem>>, vector<16xi32>,
    %swap3A_52 = vector.shape_cast %swap3A_51 : vector<16xi32> to vector<16xi32>
    %swap3A_53 = vector.shape_cast %add3A_49 : vector<16xi32> to vector<16xi32>
    tpu.vector_store %arg11[%swap3A_50], %swap3A_53 {strides = array<i32>} : memref<192xi32, #tpu.memory_space<vmem>>, vector<16xi32>,
    %get3A_54 = arith.constant 32 : index
    %get3A_55 = tpu.vector_load %arg8[%get3A_54] {strides = array<i32>} : memref<96xi32, #tpu.memory_space<vmem>>, vector<16xi32>,
    %get3A_56 = vector.shape_cast %get3A_55 : vector<16xi32> to vector<16xi32>
    %jit3A_57 = arith.constant 0 : i32
    %jit3A_58 = arith.constant 199 : i32
    %max3A_59 = vector.broadcast %jit3A_57 : i32 to vector<16xi32>
    %max3A_60 = arith.maxsi %max3A_59, %get3A_56 : vector<16xi32>
    %min3A_61 = vector.broadcast %jit3A_58 : i32 to vector<16xi32>
    %min3A_62 = arith.minsi %min3A_61, %max3A_60 : vector<16xi32>
    %get3A_63 = arith.constant 32 : index
    %get3A_64 = tpu.vector_load %arg10[%get3A_63] {strides = array<i32>} : memref<96xi32, #tpu.memory_space<vmem>>, vector<16xi32>,
    %get3A_65 = vector.shape_cast %get3A_64 : vector<16xi32> to vector<16xi32>
    %mul3A_66 = arith.constant 128 : i32
    %mul3A_67 = vector.broadcast %mul3A_66 : i32 to vector<16xi32>
    %mul3A_68 = arith.muli %min3A_62, %mul3A_67 : vector<16xi32>
    %add3A_69 = arith.addi %get3A_65, %mul3A_68 : vector<16xi32>
    %swap3A_70 = arith.constant 32 : index
    %swap3A_71 = tpu.vector_load %arg11[%swap3A_70] {strides = array<i32>} : memref<192xi32, #tpu.memory_space<vmem>>, vector<16xi32>,
    %swap3A_72 = vector.shape_cast %swap3A_71 : vector<16xi32> to vector<16xi32>
    %swap3A_73 = vector.shape_cast %add3A_69 : vector<16xi32> to vector<16xi32>
    tpu.vector_store %arg11[%swap3A_70], %swap3A_73 {strides = array<i32>} : memref<192xi32, #tpu.memory_space<vmem>>, vector<16xi32>,
    %add3A_74 = arith.constant 25600 : i32
    %add3A_75 = vector.broadcast %add3A_74 : i32 to vector<16xi32>
    %add3A_76 = arith.addi %add3A_69, %add3A_75 : vector<16xi32>
    %swap3A_77 = arith.constant 128 : index
    %swap3A_78 = tpu.vector_load %arg11[%swap3A_77] {strides = array<i32>} : memref<192xi32, #tpu.memory_space<vmem>>, vector<16xi32>,
    %swap3A_79 = vector.shape_cast %swap3A_78 : vector<16xi32> to vector<16xi32>
    %swap3A_80 = vector.shape_cast %add3A_76 : vector<16xi32> to vector<16xi32>
    tpu.vector_store %arg11[%swap3A_77], %swap3A_80 {strides = array<i32>} : memref<192xi32, #tpu.memory_space<vmem>>, vector<16xi32>,
    %get3A_81 = arith.constant 48 : index
    %get3A_82 = tpu.vector_load %arg8[%get3A_81] {strides = array<i32>} : memref<96xi32, #tpu.memory_space<vmem>>, vector<16xi32>,
    %get3A_83 = vector.shape_cast %get3A_82 : vector<16xi32> to vector<16xi32>
    %jit3A_84 = arith.constant 0 : i32
    %jit3A_85 = arith.constant 199 : i32
    %max3A_86 = vector.broadcast %jit3A_84 : i32 to vector<16xi32>
    %max3A_87 = arith.maxsi %max3A_86, %get3A_83 : vector<16xi32>
    %min3A_88 = vector.broadcast %jit3A_85 : i32 to vector<16xi32>
    %min3A_89 = arith.minsi %min3A_88, %max3A_87 : vector<16xi32>
    %get3A_90 = arith.constant 48 : index
    %get3A_91 = tpu.vector_load %arg10[%get3A_90] {strides = array<i32>} : memref<96xi32, #tpu.memory_space<vmem>>, vector<16xi32>,
    %get3A_92 = vector.shape_cast %get3A_91 : vector<16xi32> to vector<16xi32>
    %mul3A_93 = arith.constant 128 : i32
    %mul3A_94 = vector.broadcast %mul3A_93 : i32 to vector<16xi32>
    %mul3A_95 = arith.muli %min3A_89, %mul3A_94 : vector<16xi32>
    %add3A_96 = arith.addi %get3A_92, %mul3A_95 : vector<16xi32>
    %swap3A_97 = arith.constant 48 : index
    %swap3A_98 = tpu.vector_load %arg11[%swap3A_97] {strides = array<i32>} : memref<192xi32, #tpu.memory_space<vmem>>, vector<16xi32>,
    %swap3A_99 = vector.shape_cast %swap3A_98 : vector<16xi32> to vector<16xi32>
    %swap3A_100 = vector.shape_cast %add3A_96 : vector<16xi32> to vector<16xi32>
    tpu.vector_store %arg11[%swap3A_97], %swap3A_100 {strides = array<i32>} : memref<192xi32, #tpu.memory_space<vmem>>, vector<16xi32>,
    %add3A_101 = arith.constant 25600 : i32
    %add3A_102 = vector.broadcast %add3A_101 : i32 to vector<16xi32>
    %add3A_103 = arith.addi %add3A_96, %add3A_102 : vector<16xi32>
    %swap3A_104 = arith.constant 144 : index
    %swap3A_105 = tpu.vector_load %arg11[%swap3A_104] {strides = array<i32>} : memref<192xi32, #tpu.memory_space<vmem>>, vector<16xi32>,
    %swap3A_106 = vector.shape_cast %swap3A_105 : vector<16xi32> to vector<16xi32>
    %swap3A_107 = vector.shape_cast %add3A_103 : vector<16xi32> to vector<16xi32>
    tpu.vector_store %arg11[%swap3A_104], %swap3A_107 {strides = array<i32>} : memref<192xi32, #tpu.memory_space<vmem>>, vector<16xi32>,
    %get3A_108 = arith.constant 64 : index
    %get3A_109 = tpu.vector_load %arg8[%get3A_108] {strides = array<i32>} : memref<96xi32, #tpu.memory_space<vmem>>, vector<16xi32>,
    %get3A_110 = vector.shape_cast %get3A_109 : vector<16xi32> to vector<16xi32>
    %jit3A_111 = arith.constant 0 : i32
    %jit3A_112 = arith.constant 199 : i32
    %max3A_113 = vector.broadcast %jit3A_111 : i32 to vector<16xi32>
    %max3A_114 = arith.maxsi %max3A_113, %get3A_110 : vector<16xi32>
    %min3A_115 = vector.broadcast %jit3A_112 : i32 to vector<16xi32>
    %min3A_116 = arith.minsi %min3A_115, %max3A_114 : vector<16xi32>
    %get3A_117 = arith.constant 64 : index
    %get3A_118 = tpu.vector_load %arg10[%get3A_117] {strides = array<i32>} : memref<96xi32, #tpu.memory_space<vmem>>, vector<16xi32>,
    %get3A_119 = vector.shape_cast %get3A_118 : vector<16xi32> to vector<16xi32>
    %mul3A_120 = arith.constant 128 : i32
    %mul3A_121 = vector.broadcast %mul3A_120 : i32 to vector<16xi32>
    %mul3A_122 = arith.muli %min3A_116, %mul3A_121 : vector<16xi32>
    %add3A_123 = arith.addi %get3A_119, %mul3A_122 : vector<16xi32>
    %swap3A_124 = arith.constant 64 : index
    %swap3A_125 = tpu.vector_load %arg11[%swap3A_124] {strides = array<i32>} : memref<192xi32, #tpu.memory_space<vmem>>, vector<16xi32>,
    %swap3A_126 = vector.shape_cast %swap3A_125 : vector<16xi32> to vector<16xi32>
    %swap3A_127 = vector.shape_cast %add3A_123 : vector<16xi32> to vector<16xi32>
    tpu.vector_store %arg11[%swap3A_124], %swap3A_127 {strides = array<i32>} : memref<192xi32, #tpu.memory_space<vmem>>, vector<16xi32>,
    %add3A_128 = arith.constant 25600 : i32
    %add3A_129 = vector.broadcast %add3A_128 : i32 to vector<16xi32>
    %add3A_130 = arith.addi %add3A_123, %add3A_129 : vector<16xi32>
    %swap3A_131 = arith.constant 160 : index
    %swap3A_132 = tpu.vector_load %arg11[%swap3A_131] {strides = array<i32>} : memref<192xi32, #tpu.memory_space<vmem>>, vector<16xi32>,
    %swap3A_133 = vector.shape_cast %swap3A_132 : vector<16xi32> to vector<16xi32>
    %swap3A_134 = vector.shape_cast %add3A_130 : vector<16xi32> to vector<16xi32>
    tpu.vector_store %arg11[%swap3A_131], %swap3A_134 {strides = array<i32>} : memref<192xi32, #tpu.memory_space<vmem>>, vector<16xi32>,
    %get3A_135 = arith.constant 80 : index
    %get3A_136 = tpu.vector_load %arg8[%get3A_135] {strides = array<i32>} : memref<96xi32, #tpu.memory_space<vmem>>, vector<16xi32>,
    %get3A_137 = vector.shape_cast %get3A_136 : vector<16xi32> to vector<16xi32>
    %jit3A_138 = arith.constant 0 : i32
    %jit3A_139 = arith.constant 199 : i32
    %max3A_140 = vector.broadcast %jit3A_138 : i32 to vector<16xi32>
    %max3A_141 = arith.maxsi %max3A_140, %get3A_137 : vector<16xi32>
    %min3A_142 = vector.broadcast %jit3A_139 : i32 to vector<16xi32>
    %min3A_143 = arith.minsi %min3A_142, %max3A_141 : vector<16xi32>
    %get3A_144 = arith.constant 80 : index
    %get3A_145 = tpu.vector_load %arg10[%get3A_144] {strides = array<i32>} : memref<96xi32, #tpu.memory_space<vmem>>, vector<16xi32>,
    %get3A_146 = vector.shape_cast %get3A_145 : vector<16xi32> to vector<16xi32>
    %mul3A_147 = arith.constant 128 : i32
    %mul3A_148 = vector.broadcast %mul3A_147 : i32 to vector<16xi32>
    %mul3A_149 = arith.muli %min3A_143, %mul3A_148 : vector<16xi32>
    %add3A_150 = arith.addi %get3A_146, %mul3A_149 : vector<16xi32>
    %swap3A_151 = arith.constant 80 : index
    %swap3A_152 = tpu.vector_load %arg11[%swap3A_151] {strides = array<i32>} : memref<192xi32, #tpu.memory_space<vmem>>, vector<16xi32>,
    %swap3A_153 = vector.shape_cast %swap3A_152 : vector<16xi32> to vector<16xi32>
    %swap3A_154 = vector.shape_cast %add3A_150 : vector<16xi32> to vector<16xi32>
    tpu.vector_store %arg11[%swap3A_151], %swap3A_154 {strides = array<i32>} : memref<192xi32, #tpu.memory_space<vmem>>, vector<16xi32>,
    %add3A_155 = arith.constant 25600 : i32
    %add3A_156 = vector.broadcast %add3A_155 : i32 to vector<16xi32>
    %add3A_157 = arith.addi %add3A_150, %add3A_156 : vector<16xi32>
    %swap3A_158 = arith.constant 176 : index
    %swap3A_159 = tpu.vector_load %arg11[%swap3A_158] {strides = array<i32>} : memref<192xi32, #tpu.memory_space<vmem>>, vector<16xi32>,
    %swap3A_160 = vector.shape_cast %swap3A_159 : vector<16xi32> to vector<16xi32>
    %swap3A_161 = vector.shape_cast %add3A_157 : vector<16xi32> to vector<16xi32>
    tpu.vector_store %arg11[%swap3A_158], %swap3A_161 {strides = array<i32>} : memref<192xi32, #tpu.memory_space<vmem>>, vector<16xi32>,
    %dma_start3A = arith.constant 0 : i32
    %dma_start3A_162 = tpu.memref_slice %arg2[%dma_start3A] : memref<1228800xf32, #tpu.memory_space<hbm>> -> memref<1228800xf32, #tpu.memory_space<hbm>>
    tpu.enqueue_indirect_dma source(%dma_start3A_162 : memref<1228800xf32, #tpu.memory_space<hbm>>) target(%arg12 : memref<192xf32, #tpu.memory_space<vmem>>) offsets(%arg11 : memref<192xi32, #tpu.memory_space<vmem>>) semaphore(%arg15 : memref<!tpu.dma_semaphore, #tpu.memory_space<semaphore_mem>>)
    %dma_wait3A = arith.constant 0 : i32
    %dma_wait3A_163 = tpu.memref_slice %arg2[%dma_wait3A] : memref<1228800xf32, #tpu.memory_space<hbm>> -> memref<1228800xf32, #tpu.memory_space<hbm>>
    tpu.wait_indirect_dma semaphore(%arg15 : memref<!tpu.dma_semaphore, #tpu.memory_space<semaphore_mem>>) src(%dma_wait3A_163 : memref<1228800xf32, #tpu.memory_space<hbm>>) dst(%arg12 : memref<192xf32, #tpu.memory_space<vmem>>)
    %get3A_164 = arith.constant 0 : index
    %get3A_165 = tpu.vector_load %arg8[%get3A_164] {strides = array<i32>} : memref<96xi32, #tpu.memory_space<vmem>>, vector<16xi32>,
    %get3A_166 = vector.shape_cast %get3A_165 : vector<16xi32> to vector<16xi32>
    %convert_element_type3A = arith.sitofp %get3A_166 : vector<16xi32> to vector<16xf32>
    %get3A_167 = arith.constant 0 : index
    %get3A_168 = tpu.vector_load %arg9[%get3A_167] {strides = array<i32>} : memref<96xf32, #tpu.memory_space<vmem>>, vector<16xf32>,
    %get3A_169 = vector.shape_cast %get3A_168 : vector<16xf32> to vector<16xf32>
    %get3A_170 = arith.constant 0 : index
    %get3A_171 = tpu.vector_load %arg12[%get3A_170] {strides = array<i32>} : memref<192xf32, #tpu.memory_space<vmem>>, vector<16xf32>,
    %get3A_172 = vector.shape_cast %get3A_171 : vector<16xf32> to vector<16xf32>
    %mul3A_173 = arith.mulf %get3A_169, %get3A_172 : vector<16xf32>
    %get3A_174 = arith.constant 96 : index
    %get3A_175 = tpu.vector_load %arg12[%get3A_174] {strides = array<i32>} : memref<192xf32, #tpu.memory_space<vmem>>, vector<16xf32>,
    %get3A_176 = vector.shape_cast %get3A_175 : vector<16xf32> to vector<16xf32>
    %gt3A = arith.constant 5.000000e-01 : f32
    %gt3A_177 = vector.broadcast %gt3A : f32 to vector<16xf32>
    %gt3A_178 = arith.cmpf ogt, %get3A_169, %gt3A_177 : vector<16xf32>
    %gt3A_179 = arith.constant 5.000000e-01 : f32
    %gt3A_180 = vector.broadcast %gt3A_179 : f32 to vector<16xf32>
    %gt3A_181 = arith.cmpf ogt, %mul3A_173, %gt3A_180 : vector<16xf32>
    %and3A = arith.andi %gt3A_178, %gt3A_181 : vector<16xi1>
    %mul3A_182 = arith.constant 4.500000e+01 : f32
    %mul3A_183 = vector.broadcast %mul3A_182 : f32 to vector<16xf32>
    %mul3A_184 = arith.mulf %convert_element_type3A, %mul3A_183 : vector<16xf32>
    %add3A_185 = arith.constant 2.000000e+02 : f32
    %add3A_186 = vector.broadcast %add3A_185 : f32 to vector<16xf32>
    %add3A_187 = arith.addf %add3A_186, %mul3A_184 : vector<16xf32>
    %add3A_188 = arith.addf %add3A_187, %get3A_176 : vector<16xf32>
    %select_n3A = arith.select %and3A, %add3A_188, %convert_element_type3A : vector<16xi1>, vector<16xf32>
    %swap3A_189 = arith.constant 0 : index
    %swap3A_190 = tpu.vector_load %arg13[%swap3A_189] {strides = array<i32>} : memref<96xf32, #tpu.memory_space<vmem>>, vector<16xf32>,
    %swap3A_191 = vector.shape_cast %swap3A_190 : vector<16xf32> to vector<16xf32>
    %swap3A_192 = vector.shape_cast %select_n3A : vector<16xf32> to vector<16xf32>
    tpu.vector_store %arg13[%swap3A_189], %swap3A_192 {strides = array<i32>} : memref<96xf32, #tpu.memory_space<vmem>>, vector<16xf32>,
    %select_n3A_193 = arith.select %and3A, %mul3A_173, %get3A_169 : vector<16xi1>, vector<16xf32>
    %swap3A_194 = arith.constant 0 : index
    %swap3A_195 = tpu.vector_load %arg14[%swap3A_194] {strides = array<i32>} : memref<96xf32, #tpu.memory_space<vmem>>, vector<16xf32>,
    %swap3A_196 = vector.shape_cast %swap3A_195 : vector<16xf32> to vector<16xf32>
    %swap3A_197 = vector.shape_cast %select_n3A_193 : vector<16xf32> to vector<16xf32>
    tpu.vector_store %arg14[%swap3A_194], %swap3A_197 {strides = array<i32>} : memref<96xf32, #tpu.memory_space<vmem>>, vector<16xf32>,
    %get3A_198 = arith.constant 16 : index
    %get3A_199 = tpu.vector_load %arg8[%get3A_198] {strides = array<i32>} : memref<96xi32, #tpu.memory_space<vmem>>, vector<16xi32>,
    %get3A_200 = vector.shape_cast %get3A_199 : vector<16xi32> to vector<16xi32>
    %convert_element_type3A_201 = arith.sitofp %get3A_200 : vector<16xi32> to vector<16xf32>
    %get3A_202 = arith.constant 16 : index
    %get3A_203 = tpu.vector_load %arg9[%get3A_202] {strides = array<i32>} : memref<96xf32, #tpu.memory_space<vmem>>, vector<16xf32>,
    %get3A_204 = vector.shape_cast %get3A_203 : vector<16xf32> to vector<16xf32>
    %get3A_205 = arith.constant 16 : index
    %get3A_206 = tpu.vector_load %arg12[%get3A_205] {strides = array<i32>} : memref<192xf32, #tpu.memory_space<vmem>>, vector<16xf32>,
    %get3A_207 = vector.shape_cast %get3A_206 : vector<16xf32> to vector<16xf32>
    %mul3A_208 = arith.mulf %get3A_204, %get3A_207 : vector<16xf32>
    %get3A_209 = arith.constant 112 : index
    %get3A_210 = tpu.vector_load %arg12[%get3A_209] {strides = array<i32>} : memref<192xf32, #tpu.memory_space<vmem>>, vector<16xf32>,
    %get3A_211 = vector.shape_cast %get3A_210 : vector<16xf32> to vector<16xf32>
    %gt3A_212 = arith.constant 5.000000e-01 : f32
    %gt3A_213 = vector.broadcast %gt3A_212 : f32 to vector<16xf32>
    %gt3A_214 = arith.cmpf ogt, %get3A_204, %gt3A_213 : vector<16xf32>
    %gt3A_215 = arith.constant 5.000000e-01 : f32
    %gt3A_216 = vector.broadcast %gt3A_215 : f32 to vector<16xf32>
    %gt3A_217 = arith.cmpf ogt, %mul3A_208, %gt3A_216 : vector<16xf32>
    %and3A_218 = arith.andi %gt3A_214, %gt3A_217 : vector<16xi1>
    %mul3A_219 = arith.constant 4.500000e+01 : f32
    %mul3A_220 = vector.broadcast %mul3A_219 : f32 to vector<16xf32>
    %mul3A_221 = arith.mulf %convert_element_type3A_201, %mul3A_220 : vector<16xf32>
    %add3A_222 = arith.constant 2.000000e+02 : f32
    %add3A_223 = vector.broadcast %add3A_222 : f32 to vector<16xf32>
    %add3A_224 = arith.addf %add3A_223, %mul3A_221 : vector<16xf32>
    %add3A_225 = arith.addf %add3A_224, %get3A_211 : vector<16xf32>
    %select_n3A_226 = arith.select %and3A_218, %add3A_225, %convert_element_type3A_201 : vector<16xi1>, vector<16xf32>
    %swap3A_227 = arith.constant 16 : index
    %swap3A_228 = tpu.vector_load %arg13[%swap3A_227] {strides = array<i32>} : memref<96xf32, #tpu.memory_space<vmem>>, vector<16xf32>,
    %swap3A_229 = vector.shape_cast %swap3A_228 : vector<16xf32> to vector<16xf32>
    %swap3A_230 = vector.shape_cast %select_n3A_226 : vector<16xf32> to vector<16xf32>
    tpu.vector_store %arg13[%swap3A_227], %swap3A_230 {strides = array<i32>} : memref<96xf32, #tpu.memory_space<vmem>>, vector<16xf32>,
    %select_n3A_231 = arith.select %and3A_218, %mul3A_208, %get3A_204 : vector<16xi1>, vector<16xf32>
    %swap3A_232 = arith.constant 16 : index
    %swap3A_233 = tpu.vector_load %arg14[%swap3A_232] {strides = array<i32>} : memref<96xf32, #tpu.memory_space<vmem>>, vector<16xf32>,
    %swap3A_234 = vector.shape_cast %swap3A_233 : vector<16xf32> to vector<16xf32>
    %swap3A_235 = vector.shape_cast %select_n3A_231 : vector<16xf32> to vector<16xf32>
    tpu.vector_store %arg14[%swap3A_232], %swap3A_235 {strides = array<i32>} : memref<96xf32, #tpu.memory_space<vmem>>, vector<16xf32>,
    %get3A_236 = arith.constant 32 : index
    %get3A_237 = tpu.vector_load %arg8[%get3A_236] {strides = array<i32>} : memref<96xi32, #tpu.memory_space<vmem>>, vector<16xi32>,
    %get3A_238 = vector.shape_cast %get3A_237 : vector<16xi32> to vector<16xi32>
    %convert_element_type3A_239 = arith.sitofp %get3A_238 : vector<16xi32> to vector<16xf32>
    %get3A_240 = arith.constant 32 : index
    %get3A_241 = tpu.vector_load %arg9[%get3A_240] {strides = array<i32>} : memref<96xf32, #tpu.memory_space<vmem>>, vector<16xf32>,
    %get3A_242 = vector.shape_cast %get3A_241 : vector<16xf32> to vector<16xf32>
    %get3A_243 = arith.constant 32 : index
    %get3A_244 = tpu.vector_load %arg12[%get3A_243] {strides = array<i32>} : memref<192xf32, #tpu.memory_space<vmem>>, vector<16xf32>,
    %get3A_245 = vector.shape_cast %get3A_244 : vector<16xf32> to vector<16xf32>
    %mul3A_246 = arith.mulf %get3A_242, %get3A_245 : vector<16xf32>
    %get3A_247 = arith.constant 128 : index
    %get3A_248 = tpu.vector_load %arg12[%get3A_247] {strides = array<i32>} : memref<192xf32, #tpu.memory_space<vmem>>, vector<16xf32>,
    %get3A_249 = vector.shape_cast %get3A_248 : vector<16xf32> to vector<16xf32>
    %gt3A_250 = arith.constant 5.000000e-01 : f32
    %gt3A_251 = vector.broadcast %gt3A_250 : f32 to vector<16xf32>
    %gt3A_252 = arith.cmpf ogt, %get3A_242, %gt3A_251 : vector<16xf32>
    %gt3A_253 = arith.constant 5.000000e-01 : f32
    %gt3A_254 = vector.broadcast %gt3A_253 : f32 to vector<16xf32>
    %gt3A_255 = arith.cmpf ogt, %mul3A_246, %gt3A_254 : vector<16xf32>
    %and3A_256 = arith.andi %gt3A_252, %gt3A_255 : vector<16xi1>
    %mul3A_257 = arith.constant 4.500000e+01 : f32
    %mul3A_258 = vector.broadcast %mul3A_257 : f32 to vector<16xf32>
    %mul3A_259 = arith.mulf %convert_element_type3A_239, %mul3A_258 : vector<16xf32>
    %add3A_260 = arith.constant 2.000000e+02 : f32
    %add3A_261 = vector.broadcast %add3A_260 : f32 to vector<16xf32>
    %add3A_262 = arith.addf %add3A_261, %mul3A_259 : vector<16xf32>
    %add3A_263 = arith.addf %add3A_262, %get3A_249 : vector<16xf32>
    %select_n3A_264 = arith.select %and3A_256, %add3A_263, %convert_element_type3A_239 : vector<16xi1>, vector<16xf32>
    %swap3A_265 = arith.constant 32 : index
    %swap3A_266 = tpu.vector_load %arg13[%swap3A_265] {strides = array<i32>} : memref<96xf32, #tpu.memory_space<vmem>>, vector<16xf32>,
    %swap3A_267 = vector.shape_cast %swap3A_266 : vector<16xf32> to vector<16xf32>
    %swap3A_268 = vector.shape_cast %select_n3A_264 : vector<16xf32> to vector<16xf32>
    tpu.vector_store %arg13[%swap3A_265], %swap3A_268 {strides = array<i32>} : memref<96xf32, #tpu.memory_space<vmem>>, vector<16xf32>,
    %select_n3A_269 = arith.select %and3A_256, %mul3A_246, %get3A_242 : vector<16xi1>, vector<16xf32>
    %swap3A_270 = arith.constant 32 : index
    %swap3A_271 = tpu.vector_load %arg14[%swap3A_270] {strides = array<i32>} : memref<96xf32, #tpu.memory_space<vmem>>, vector<16xf32>,
    %swap3A_272 = vector.shape_cast %swap3A_271 : vector<16xf32> to vector<16xf32>
    %swap3A_273 = vector.shape_cast %select_n3A_269 : vector<16xf32> to vector<16xf32>
    tpu.vector_store %arg14[%swap3A_270], %swap3A_273 {strides = array<i32>} : memref<96xf32, #tpu.memory_space<vmem>>, vector<16xf32>,
    %get3A_274 = arith.constant 48 : index
    %get3A_275 = tpu.vector_load %arg8[%get3A_274] {strides = array<i32>} : memref<96xi32, #tpu.memory_space<vmem>>, vector<16xi32>,
    %get3A_276 = vector.shape_cast %get3A_275 : vector<16xi32> to vector<16xi32>
    %convert_element_type3A_277 = arith.sitofp %get3A_276 : vector<16xi32> to vector<16xf32>
    %get3A_278 = arith.constant 48 : index
    %get3A_279 = tpu.vector_load %arg9[%get3A_278] {strides = array<i32>} : memref<96xf32, #tpu.memory_space<vmem>>, vector<16xf32>,
    %get3A_280 = vector.shape_cast %get3A_279 : vector<16xf32> to vector<16xf32>
    %get3A_281 = arith.constant 48 : index
    %get3A_282 = tpu.vector_load %arg12[%get3A_281] {strides = array<i32>} : memref<192xf32, #tpu.memory_space<vmem>>, vector<16xf32>,
    %get3A_283 = vector.shape_cast %get3A_282 : vector<16xf32> to vector<16xf32>
    %mul3A_284 = arith.mulf %get3A_280, %get3A_283 : vector<16xf32>
    %get3A_285 = arith.constant 144 : index
    %get3A_286 = tpu.vector_load %arg12[%get3A_285] {strides = array<i32>} : memref<192xf32, #tpu.memory_space<vmem>>, vector<16xf32>,
    %get3A_287 = vector.shape_cast %get3A_286 : vector<16xf32> to vector<16xf32>
    %gt3A_288 = arith.constant 5.000000e-01 : f32
    %gt3A_289 = vector.broadcast %gt3A_288 : f32 to vector<16xf32>
    %gt3A_290 = arith.cmpf ogt, %get3A_280, %gt3A_289 : vector<16xf32>
    %gt3A_291 = arith.constant 5.000000e-01 : f32
    %gt3A_292 = vector.broadcast %gt3A_291 : f32 to vector<16xf32>
    %gt3A_293 = arith.cmpf ogt, %mul3A_284, %gt3A_292 : vector<16xf32>
    %and3A_294 = arith.andi %gt3A_290, %gt3A_293 : vector<16xi1>
    %mul3A_295 = arith.constant 4.500000e+01 : f32
    %mul3A_296 = vector.broadcast %mul3A_295 : f32 to vector<16xf32>
    %mul3A_297 = arith.mulf %convert_element_type3A_277, %mul3A_296 : vector<16xf32>
    %add3A_298 = arith.constant 2.000000e+02 : f32
    %add3A_299 = vector.broadcast %add3A_298 : f32 to vector<16xf32>
    %add3A_300 = arith.addf %add3A_299, %mul3A_297 : vector<16xf32>
    %add3A_301 = arith.addf %add3A_300, %get3A_287 : vector<16xf32>
    %select_n3A_302 = arith.select %and3A_294, %add3A_301, %convert_element_type3A_277 : vector<16xi1>, vector<16xf32>
    %swap3A_303 = arith.constant 48 : index
    %swap3A_304 = tpu.vector_load %arg13[%swap3A_303] {strides = array<i32>} : memref<96xf32, #tpu.memory_space<vmem>>, vector<16xf32>,
    %swap3A_305 = vector.shape_cast %swap3A_304 : vector<16xf32> to vector<16xf32>
    %swap3A_306 = vector.shape_cast %select_n3A_302 : vector<16xf32> to vector<16xf32>
    tpu.vector_store %arg13[%swap3A_303], %swap3A_306 {strides = array<i32>} : memref<96xf32, #tpu.memory_space<vmem>>, vector<16xf32>,
    %select_n3A_307 = arith.select %and3A_294, %mul3A_284, %get3A_280 : vector<16xi1>, vector<16xf32>
    %swap3A_308 = arith.constant 48 : index
    %swap3A_309 = tpu.vector_load %arg14[%swap3A_308] {strides = array<i32>} : memref<96xf32, #tpu.memory_space<vmem>>, vector<16xf32>,
    %swap3A_310 = vector.shape_cast %swap3A_309 : vector<16xf32> to vector<16xf32>
    %swap3A_311 = vector.shape_cast %select_n3A_307 : vector<16xf32> to vector<16xf32>
    tpu.vector_store %arg14[%swap3A_308], %swap3A_311 {strides = array<i32>} : memref<96xf32, #tpu.memory_space<vmem>>, vector<16xf32>,
    %get3A_312 = arith.constant 64 : index
    %get3A_313 = tpu.vector_load %arg8[%get3A_312] {strides = array<i32>} : memref<96xi32, #tpu.memory_space<vmem>>, vector<16xi32>,
    %get3A_314 = vector.shape_cast %get3A_313 : vector<16xi32> to vector<16xi32>
    %convert_element_type3A_315 = arith.sitofp %get3A_314 : vector<16xi32> to vector<16xf32>
    %get3A_316 = arith.constant 64 : index
    %get3A_317 = tpu.vector_load %arg9[%get3A_316] {strides = array<i32>} : memref<96xf32, #tpu.memory_space<vmem>>, vector<16xf32>,
    %get3A_318 = vector.shape_cast %get3A_317 : vector<16xf32> to vector<16xf32>
    %get3A_319 = arith.constant 64 : index
    %get3A_320 = tpu.vector_load %arg12[%get3A_319] {strides = array<i32>} : memref<192xf32, #tpu.memory_space<vmem>>, vector<16xf32>,
    %get3A_321 = vector.shape_cast %get3A_320 : vector<16xf32> to vector<16xf32>
    %mul3A_322 = arith.mulf %get3A_318, %get3A_321 : vector<16xf32>
    %get3A_323 = arith.constant 160 : index
    %get3A_324 = tpu.vector_load %arg12[%get3A_323] {strides = array<i32>} : memref<192xf32, #tpu.memory_space<vmem>>, vector<16xf32>,
    %get3A_325 = vector.shape_cast %get3A_324 : vector<16xf32> to vector<16xf32>
    %gt3A_326 = arith.constant 5.000000e-01 : f32
    %gt3A_327 = vector.broadcast %gt3A_326 : f32 to vector<16xf32>
    %gt3A_328 = arith.cmpf ogt, %get3A_318, %gt3A_327 : vector<16xf32>
    %gt3A_329 = arith.constant 5.000000e-01 : f32
    %gt3A_330 = vector.broadcast %gt3A_329 : f32 to vector<16xf32>
    %gt3A_331 = arith.cmpf ogt, %mul3A_322, %gt3A_330 : vector<16xf32>
    %and3A_332 = arith.andi %gt3A_328, %gt3A_331 : vector<16xi1>
    %mul3A_333 = arith.constant 4.500000e+01 : f32
    %mul3A_334 = vector.broadcast %mul3A_333 : f32 to vector<16xf32>
    %mul3A_335 = arith.mulf %convert_element_type3A_315, %mul3A_334 : vector<16xf32>
    %add3A_336 = arith.constant 2.000000e+02 : f32
    %add3A_337 = vector.broadcast %add3A_336 : f32 to vector<16xf32>
    %add3A_338 = arith.addf %add3A_337, %mul3A_335 : vector<16xf32>
    %add3A_339 = arith.addf %add3A_338, %get3A_325 : vector<16xf32>
    %select_n3A_340 = arith.select %and3A_332, %add3A_339, %convert_element_type3A_315 : vector<16xi1>, vector<16xf32>
    %swap3A_341 = arith.constant 64 : index
    %swap3A_342 = tpu.vector_load %arg13[%swap3A_341] {strides = array<i32>} : memref<96xf32, #tpu.memory_space<vmem>>, vector<16xf32>,
    %swap3A_343 = vector.shape_cast %swap3A_342 : vector<16xf32> to vector<16xf32>
    %swap3A_344 = vector.shape_cast %select_n3A_340 : vector<16xf32> to vector<16xf32>
    tpu.vector_store %arg13[%swap3A_341], %swap3A_344 {strides = array<i32>} : memref<96xf32, #tpu.memory_space<vmem>>, vector<16xf32>,
    %select_n3A_345 = arith.select %and3A_332, %mul3A_322, %get3A_318 : vector<16xi1>, vector<16xf32>
    %swap3A_346 = arith.constant 64 : index
    %swap3A_347 = tpu.vector_load %arg14[%swap3A_346] {strides = array<i32>} : memref<96xf32, #tpu.memory_space<vmem>>, vector<16xf32>,
    %swap3A_348 = vector.shape_cast %swap3A_347 : vector<16xf32> to vector<16xf32>
    %swap3A_349 = vector.shape_cast %select_n3A_345 : vector<16xf32> to vector<16xf32>
    tpu.vector_store %arg14[%swap3A_346], %swap3A_349 {strides = array<i32>} : memref<96xf32, #tpu.memory_space<vmem>>, vector<16xf32>,
    %get3A_350 = arith.constant 80 : index
    %get3A_351 = tpu.vector_load %arg8[%get3A_350] {strides = array<i32>} : memref<96xi32, #tpu.memory_space<vmem>>, vector<16xi32>,
    %get3A_352 = vector.shape_cast %get3A_351 : vector<16xi32> to vector<16xi32>
    %convert_element_type3A_353 = arith.sitofp %get3A_352 : vector<16xi32> to vector<16xf32>
    %get3A_354 = arith.constant 80 : index
    %get3A_355 = tpu.vector_load %arg9[%get3A_354] {strides = array<i32>} : memref<96xf32, #tpu.memory_space<vmem>>, vector<16xf32>,
    %get3A_356 = vector.shape_cast %get3A_355 : vector<16xf32> to vector<16xf32>
    %get3A_357 = arith.constant 80 : index
    %get3A_358 = tpu.vector_load %arg12[%get3A_357] {strides = array<i32>} : memref<192xf32, #tpu.memory_space<vmem>>, vector<16xf32>,
    %get3A_359 = vector.shape_cast %get3A_358 : vector<16xf32> to vector<16xf32>
    %mul3A_360 = arith.mulf %get3A_356, %get3A_359 : vector<16xf32>
    %get3A_361 = arith.constant 176 : index
    %get3A_362 = tpu.vector_load %arg12[%get3A_361] {strides = array<i32>} : memref<192xf32, #tpu.memory_space<vmem>>, vector<16xf32>,
    %get3A_363 = vector.shape_cast %get3A_362 : vector<16xf32> to vector<16xf32>
    %gt3A_364 = arith.constant 5.000000e-01 : f32
    %gt3A_365 = vector.broadcast %gt3A_364 : f32 to vector<16xf32>
    %gt3A_366 = arith.cmpf ogt, %get3A_356, %gt3A_365 : vector<16xf32>
    %gt3A_367 = arith.constant 5.000000e-01 : f32
    %gt3A_368 = vector.broadcast %gt3A_367 : f32 to vector<16xf32>
    %gt3A_369 = arith.cmpf ogt, %mul3A_360, %gt3A_368 : vector<16xf32>
    %and3A_370 = arith.andi %gt3A_366, %gt3A_369 : vector<16xi1>
    %mul3A_371 = arith.constant 4.500000e+01 : f32
    %mul3A_372 = vector.broadcast %mul3A_371 : f32 to vector<16xf32>
    %mul3A_373 = arith.mulf %convert_element_type3A_353, %mul3A_372 : vector<16xf32>
    %add3A_374 = arith.constant 2.000000e+02 : f32
    %add3A_375 = vector.broadcast %add3A_374 : f32 to vector<16xf32>
    %add3A_376 = arith.addf %add3A_375, %mul3A_373 : vector<16xf32>
    %add3A_377 = arith.addf %add3A_376, %get3A_363 : vector<16xf32>
    %select_n3A_378 = arith.select %and3A_370, %add3A_377, %convert_element_type3A_353 : vector<16xi1>, vector<16xf32>
    %swap3A_379 = arith.constant 80 : index
    %swap3A_380 = tpu.vector_load %arg13[%swap3A_379] {strides = array<i32>} : memref<96xf32, #tpu.memory_space<vmem>>, vector<16xf32>,
    %swap3A_381 = vector.shape_cast %swap3A_380 : vector<16xf32> to vector<16xf32>
    %swap3A_382 = vector.shape_cast %select_n3A_378 : vector<16xf32> to vector<16xf32>
    tpu.vector_store %arg13[%swap3A_379], %swap3A_382 {strides = array<i32>} : memref<96xf32, #tpu.memory_space<vmem>>, vector<16xf32>,
    %select_n3A_383 = arith.select %and3A_370, %mul3A_360, %get3A_356 : vector<16xi1>, vector<16xf32>
    %swap3A_384 = arith.constant 80 : index
    %swap3A_385 = tpu.vector_load %arg14[%swap3A_384] {strides = array<i32>} : memref<96xf32, #tpu.memory_space<vmem>>, vector<16xf32>,
    %swap3A_386 = vector.shape_cast %swap3A_385 : vector<16xf32> to vector<16xf32>
    %swap3A_387 = vector.shape_cast %select_n3A_383 : vector<16xf32> to vector<16xf32>
    tpu.vector_store %arg14[%swap3A_384], %swap3A_387 {strides = array<i32>} : memref<96xf32, #tpu.memory_space<vmem>>, vector<16xf32>,
    "tpu.region"() ({
      %run_scoped3A = tpu.sem_alloc : memref<!tpu.dma_semaphore, #tpu.memory_space<semaphore_mem>>
      %dma_start3A_388 = tpu.memref_slice %arg6[%min3A_3] : memref<3072xf32, #tpu.memory_space<hbm>> -> memref<96xf32, #tpu.memory_space<hbm>>
      %dma_start3A_389 = tpu.memref_slice %arg6[%min3A_3] : memref<3072xf32, #tpu.memory_space<hbm>> -> memref<96xf32, #tpu.memory_space<hbm>>
      tpu.enqueue_dma source(%arg13 : memref<96xf32, #tpu.memory_space<vmem>>) target(%dma_start3A_389 : memref<96xf32, #tpu.memory_space<hbm>>) target_semaphore(%run_scoped3A : memref<!tpu.dma_semaphore, #tpu.memory_space<semaphore_mem>>)
      %dma_wait3A_390 = tpu.memref_slice %arg6[%min3A_3] : memref<3072xf32, #tpu.memory_space<hbm>> -> memref<96xf32, #tpu.memory_space<hbm>>
      %dma_wait3A_391 = tpu.memref_slice %arg6[%min3A_3] : memref<3072xf32, #tpu.memory_space<hbm>> -> memref<96xf32, #tpu.memory_space<hbm>>
      tpu.wait_dma2 semaphore(%run_scoped3A : memref<!tpu.dma_semaphore, #tpu.memory_space<semaphore_mem>>) src(%arg13 : memref<96xf32, #tpu.memory_space<vmem>>) dst(%dma_wait3A_391 : memref<96xf32, #tpu.memory_space<hbm>>)
      tpu.yield
    }) : () -> ()
    "tpu.region"() ({
      %run_scoped3A = tpu.sem_alloc : memref<!tpu.dma_semaphore, #tpu.memory_space<semaphore_mem>>
      %dma_start3A_388 = tpu.memref_slice %arg7[%min3A_3] : memref<3072xf32, #tpu.memory_space<hbm>> -> memref<96xf32, #tpu.memory_space<hbm>>
      %dma_start3A_389 = tpu.memref_slice %arg7[%min3A_3] : memref<3072xf32, #tpu.memory_space<hbm>> -> memref<96xf32, #tpu.memory_space<hbm>>
      tpu.enqueue_dma source(%arg14 : memref<96xf32, #tpu.memory_space<vmem>>) target(%dma_start3A_389 : memref<96xf32, #tpu.memory_space<hbm>>) target_semaphore(%run_scoped3A : memref<!tpu.dma_semaphore, #tpu.memory_space<semaphore_mem>>)
      %dma_wait3A_390 = tpu.memref_slice %arg7[%min3A_3] : memref<3072xf32, #tpu.memory_space<hbm>> -> memref<96xf32, #tpu.memory_space<hbm>>
      %dma_wait3A_391 = tpu.memref_slice %arg7[%min3A_3] : memref<3072xf32, #tpu.memory_space<hbm>> -> memref<96xf32, #tpu.memory_space<hbm>>
      tpu.wait_dma2 semaphore(%run_scoped3A : memref<!tpu.dma_semaphore, #tpu.memory_space<semaphore_mem>>) src(%arg14 : memref<96xf32, #tpu.memory_space<vmem>>) dst(%dma_wait3A_391 : memref<96xf32, #tpu.memory_space<hbm>>)
      tpu.yield
    }) : () -> ()
    return
  }
}

module attributes {stable_mosaic.version = 14 : i64} {
  func.func @_out_body(%arg0: i32, %arg1: i32, %arg2: memref<3072xf32, #tpu.memory_space<vmem>>, %arg3: memref<3072xf32, #tpu.memory_space<vmem>>, %arg4: memref<1x2304x676xf32, #tpu.memory_space<vmem>>) attributes {dimension_semantics = [#tpu.dimension_semantics<parallel>, #tpu.dimension_semantics<parallel>], iteration_bounds = array<i64: 4, 4>, scalar_prefetch = 0 : i64, scratch_operands = 0 : i64, tpu.core_type = #tpu.core_type<tc>, window_params = [{pipeline_mode = #tpu.pipeline_mode<synchronous>, transform_indices = @transform_0, window_bounds = array<i64: 3072>}, {pipeline_mode = #tpu.pipeline_mode<synchronous>, transform_indices = @transform_1, window_bounds = array<i64: 3072>}, {transform_indices = @transform_2, window_bounds = array<i64: 1, 2304, 676>}]} {
    %iota3A = tpu.iota {dimensions = array<i32: 1>} : vector<1x2304x676xi32>
    %mul3A = arith.constant 2304 : i32
    %mul3A_0 = arith.muli %arg1, %mul3A : i32
    %add3A = vector.broadcast %mul3A_0 : i32 to vector<1x2304x676xi32>
    %add3A_1 = arith.addi %iota3A, %add3A : vector<1x2304x676xi32>
    %mul3A_2 = arith.constant 768 : i32
    %mul3A_3 = arith.muli %arg0, %mul3A_2 : i32
    %get3A = arith.index_cast %mul3A_3 : i32 to index
    %get3A_4 = vector.load %arg2[%get3A] : memref<3072xf32, #tpu.memory_space<vmem>>, vector<768xf32>
    %slice3A = vector.extract_strided_slice %get3A_4 {offsets = [0], sizes = [676], strides = [1]} : vector<768xf32> to vector<676xf32>
    %broadcast_in_dim3A = vector.shape_cast %slice3A : vector<676xf32> to vector<1x1x676xf32>
    %mul3A_5 = arith.constant 768 : i32
    %mul3A_6 = arith.muli %arg0, %mul3A_5 : i32
    %get3A_7 = arith.index_cast %mul3A_6 : i32 to index
    %get3A_8 = vector.load %arg3[%get3A_7] : memref<3072xf32, #tpu.memory_space<vmem>>, vector<768xf32>
    %slice3A_9 = vector.extract_strided_slice %get3A_8 {offsets = [0], sizes = [676], strides = [1]} : vector<768xf32> to vector<676xf32>
    %broadcast_in_dim3A_10 = vector.shape_cast %slice3A_9 : vector<676xf32> to vector<1x1x676xf32>
    %convert_element_type3A = arith.sitofp %add3A_1 : vector<1x2304x676xi32> to vector<1x2304x676xf32>
    %eq3A = vector.broadcast %broadcast_in_dim3A : vector<1x1x676xf32> to vector<1x2304x676xf32>
    %eq3A_11 = arith.cmpf oeq, %convert_element_type3A, %eq3A : vector<1x2304x676xf32>
    %eq3A_12 = arith.constant 9200 : i32
    %eq3A_13 = vector.broadcast %eq3A_12 : i32 to vector<1x2304x676xi32>
    %eq3A_14 = arith.cmpi eq, %add3A_1, %eq3A_13 : vector<1x2304x676xi32>
    %or3A = arith.ori %eq3A_11, %eq3A_14 : vector<1x2304x676xi1>
    %broadcast_in_dim3A_15 = arith.constant 0.000000e+00 : f32
    %broadcast_in_dim3A_16 = vector.broadcast %broadcast_in_dim3A_15 : f32 to vector<1x2304x676xf32>
    %broadcast_in_dim3A_17 = vector.shape_cast %broadcast_in_dim3A_10 : vector<1x1x676xf32> to vector<1x1x676xf32>
    %broadcast_in_dim3A_18 = vector.broadcast %broadcast_in_dim3A_17 : vector<1x1x676xf32> to vector<1x2304x676xf32>
    %select_n3A = arith.select %or3A, %broadcast_in_dim3A_18, %broadcast_in_dim3A_16 : vector<1x2304x676xi1>, vector<1x2304x676xf32>
    %swap3A = arith.constant 0 : index
    %swap3A_19 = arith.constant 0 : index
    %swap3A_20 = arith.constant 0 : index
    %swap3A_21 = vector.load %arg4[%swap3A, %swap3A_19, %swap3A_20] : memref<1x2304x676xf32, #tpu.memory_space<vmem>>, vector<1x2304x676xf32>
    tpu.vector_store %arg4[%swap3A, %swap3A_19, %swap3A_20], %select_n3A {strides = array<i32>} : memref<1x2304x676xf32, #tpu.memory_space<vmem>>, vector<1x2304x676xf32>,
    return
  }
  func.func @transform_0(%arg0: i32, %arg1: i32) -> i32 {
    %c0_i32 = arith.constant 0 : i32
    %c0_i32_0 = arith.constant 0 : i32
    return %c0_i32 : i32
  }
  func.func @transform_1(%arg0: i32, %arg1: i32) -> i32 {
    %c0_i32 = arith.constant 0 : i32
    %c0_i32_0 = arith.constant 0 : i32
    return %c0_i32 : i32
  }
  func.func @transform_2(%arg0: i32, %arg1: i32) -> (i32, i32, i32) {
    %c0_i32 = arith.constant 0 : i32
    %c0_i32_0 = arith.constant 0 : i32
    return %arg0, %arg1, %c0_i32 : i32, i32, i32
  }
}

module attributes {stable_mosaic.version = 14 : i64} {
  func.func @_dense_body(%arg0: i32, %arg1: i32, %arg2: memref<1x9200x128xf32, #tpu.memory_space<vmem>>, %arg3: memref<1x1x128xf32, #tpu.memory_space<vmem>>, %arg4: memref<1x1x1x128xi32, #tpu.memory_space<vmem>>, %arg5: memref<1x1x1x128xf32, #tpu.memory_space<vmem>>, %arg6: memref<1x1x400x128xf32, #tpu.memory_space<vmem>>) attributes {dimension_semantics = [#tpu.dimension_semantics<parallel>, #tpu.dimension_semantics<parallel>], iteration_bounds = array<i64: 4, 6>, scalar_prefetch = 0 : i64, scratch_operands = 0 : i64, tpu.core_type = #tpu.core_type<tc>, window_params = [{transform_indices = @transform_0, window_bounds = array<i64: 1, 9200, 128>}, {transform_indices = @transform_1, window_bounds = array<i64: 1, 1, 128>}, {transform_indices = @transform_2, window_bounds = array<i64: 1, 1, 1, 128>}, {transform_indices = @transform_3, window_bounds = array<i64: 1, 1, 1, 128>}, {transform_indices = @transform_4, window_bounds = array<i64: 1, 1, 400, 128>}]} {
    %get3A = arith.constant 0 : index
    %get3A_0 = arith.constant 0 : index
    %get3A_1 = arith.constant 0 : index
    %get3A_2 = vector.load %arg2[%get3A, %get3A_0, %get3A_1] : memref<1x9200x128xf32, #tpu.memory_space<vmem>>, vector<1x9200x128xf32>
    %slice3A = vector.extract_strided_slice %get3A_2 {offsets = [0, 0, 0], sizes = [1, 200, 128], strides = [1, 1, 1]} : vector<1x9200x128xf32> to vector<1x200x128xf32>
    %reduce_max3A = arith.constant dense<0xFF800000> : vector<1x128xf32>
    %reduce_max3A_3 = vector.multi_reduction <maximumf>, %slice3A, %reduce_max3A [1] : vector<1x200x128xf32> to vector<1x128xf32>
    %broadcast_in_dim3A = vector.shape_cast %reduce_max3A_3 : vector<1x128xf32> to vector<1x1x128xf32>
    %iota3A = tpu.iota {dimensions = array<i32: 1>} : vector<1x200x128xi32>
    %ge3A = vector.broadcast %broadcast_in_dim3A : vector<1x1x128xf32> to vector<1x200x128xf32>
    %ge3A_4 = arith.cmpf oge, %slice3A, %ge3A : vector<1x200x128xf32>
    %jit3A = arith.constant 200 : i32
    %broadcast_in_dim3A_5 = vector.broadcast %jit3A : i32 to vector<1x200x128xi32>
    %select_n3A = arith.select %ge3A_4, %iota3A, %broadcast_in_dim3A_5 : vector<1x200x128xi1>, vector<1x200x128xi32>
    %reduce_min3A = arith.constant dense<2147483647> : vector<1x128xi32>
    %reduce_min3A_6 = vector.multi_reduction <minsi>, %select_n3A, %reduce_min3A [1] : vector<1x200x128xi32> to vector<1x128xi32>
    %squeeze3A = vector.shape_cast %reduce_min3A_6 : vector<1x128xi32> to vector<128xi32>
    %swap3A = arith.constant 0 : index
    %swap3A_7 = arith.constant 0 : index
    %swap3A_8 = arith.constant 0 : index
    %swap3A_9 = arith.constant 0 : index
    %swap3A_10 = vector.load %arg4[%swap3A, %swap3A_7, %swap3A_8, %swap3A_9] : memref<1x1x1x128xi32, #tpu.memory_space<vmem>>, vector<1x1x1x128xi32>
    %swap3A_11 = vector.shape_cast %swap3A_10 : vector<1x1x1x128xi32> to vector<128xi32>
    %swap3A_12 = vector.shape_cast %squeeze3A : vector<128xi32> to vector<1x1x1x128xi32>
    tpu.vector_store %arg4[%swap3A, %swap3A_7, %swap3A_8, %swap3A_9], %swap3A_12 {strides = array<i32>} : memref<1x1x1x128xi32, #tpu.memory_space<vmem>>, vector<1x1x1x128xi32>,
    %get3A_13 = arith.constant 0 : index
    %get3A_14 = arith.constant 0 : index
    %get3A_15 = arith.constant 0 : index
    %get3A_16 = vector.load %arg3[%get3A_13, %get3A_14, %get3A_15] : memref<1x1x128xf32, #tpu.memory_space<vmem>>, vector<1x1x128xf32>
    %mul3A = arith.mulf %get3A_16, %broadcast_in_dim3A : vector<1x1x128xf32>
    %squeeze3A_17 = vector.shape_cast %mul3A : vector<1x1x128xf32> to vector<128xf32>
    %swap3A_18 = arith.constant 0 : index
    %swap3A_19 = arith.constant 0 : index
    %swap3A_20 = arith.constant 0 : index
    %swap3A_21 = arith.constant 0 : index
    %swap3A_22 = vector.load %arg5[%swap3A_18, %swap3A_19, %swap3A_20, %swap3A_21] : memref<1x1x1x128xf32, #tpu.memory_space<vmem>>, vector<1x1x1x128xf32>
    %swap3A_23 = vector.shape_cast %swap3A_22 : vector<1x1x1x128xf32> to vector<128xf32>
    %swap3A_24 = vector.shape_cast %squeeze3A_17 : vector<128xf32> to vector<1x1x1x128xf32>
    tpu.vector_store %arg5[%swap3A_18, %swap3A_19, %swap3A_20, %swap3A_21], %swap3A_24 {strides = array<i32>} : memref<1x1x1x128xf32, #tpu.memory_space<vmem>>, vector<1x1x1x128xf32>,
    %get3A_25 = arith.constant 0 : index
    %get3A_26 = arith.constant 200 : index
    %get3A_27 = arith.constant 0 : index
    %get3A_28 = tpu.strided_load %arg2[%get3A_25, %get3A_26, %get3A_27] {strides = array<i32: 1, 45, 1>} : memref<1x9200x128xf32, #tpu.memory_space<vmem>>, vector<1x200x128xf32>
    %broadcast_in_dim3A_29 = arith.constant 0.000000e+00 : f32
    %broadcast_in_dim3A_30 = vector.broadcast %broadcast_in_dim3A_29 : f32 to vector<1x200x128xf32>
    %get3A_31 = arith.constant 0 : index
    %get3A_32 = arith.constant 201 : index
    %get3A_33 = arith.constant 0 : index
    %get3A_34 = tpu.strided_load %arg2[%get3A_31, %get3A_32, %get3A_33] {strides = array<i32: 1, 45, 1>} : memref<1x9200x128xf32, #tpu.memory_space<vmem>>, vector<1x200x128xf32>
    %gt3A = arith.cmpf ogt, %get3A_34, %get3A_28 : vector<1x200x128xf32>
    %select_n3A_35 = arith.select %gt3A, %get3A_34, %get3A_28 : vector<1x200x128xi1>, vector<1x200x128xf32>
    %jit3A_36 = arith.constant 1.000000e+00 : f32
    %broadcast_in_dim3A_37 = vector.broadcast %jit3A_36 : f32 to vector<1x200x128xf32>
    %select_n3A_38 = arith.select %gt3A, %broadcast_in_dim3A_37, %broadcast_in_dim3A_30 : vector<1x200x128xi1>, vector<1x200x128xf32>
    %get3A_39 = arith.constant 0 : index
    %get3A_40 = arith.constant 202 : index
    %get3A_41 = arith.constant 0 : index
    %get3A_42 = tpu.strided_load %arg2[%get3A_39, %get3A_40, %get3A_41] {strides = array<i32: 1, 45, 1>} : memref<1x9200x128xf32, #tpu.memory_space<vmem>>, vector<1x200x128xf32>
    %gt3A_43 = arith.cmpf ogt, %get3A_42, %select_n3A_35 : vector<1x200x128xf32>
    %select_n3A_44 = arith.select %gt3A_43, %get3A_42, %select_n3A_35 : vector<1x200x128xi1>, vector<1x200x128xf32>
    %jit3A_45 = arith.constant 2.000000e+00 : f32
    %broadcast_in_dim3A_46 = vector.broadcast %jit3A_45 : f32 to vector<1x200x128xf32>
    %select_n3A_47 = arith.select %gt3A_43, %broadcast_in_dim3A_46, %select_n3A_38 : vector<1x200x128xi1>, vector<1x200x128xf32>
    %get3A_48 = arith.constant 0 : index
    %get3A_49 = arith.constant 203 : index
    %get3A_50 = arith.constant 0 : index
    %get3A_51 = tpu.strided_load %arg2[%get3A_48, %get3A_49, %get3A_50] {strides = array<i32: 1, 45, 1>} : memref<1x9200x128xf32, #tpu.memory_space<vmem>>, vector<1x200x128xf32>
    %gt3A_52 = arith.cmpf ogt, %get3A_51, %select_n3A_44 : vector<1x200x128xf32>
    %select_n3A_53 = arith.select %gt3A_52, %get3A_51, %select_n3A_44 : vector<1x200x128xi1>, vector<1x200x128xf32>
    %jit3A_54 = arith.constant 3.000000e+00 : f32
    %broadcast_in_dim3A_55 = vector.broadcast %jit3A_54 : f32 to vector<1x200x128xf32>
    %select_n3A_56 = arith.select %gt3A_52, %broadcast_in_dim3A_55, %select_n3A_47 : vector<1x200x128xi1>, vector<1x200x128xf32>
    %get3A_57 = arith.constant 0 : index
    %get3A_58 = arith.constant 204 : index
    %get3A_59 = arith.constant 0 : index
    %get3A_60 = tpu.strided_load %arg2[%get3A_57, %get3A_58, %get3A_59] {strides = array<i32: 1, 45, 1>} : memref<1x9200x128xf32, #tpu.memory_space<vmem>>, vector<1x200x128xf32>
    %gt3A_61 = arith.cmpf ogt, %get3A_60, %select_n3A_53 : vector<1x200x128xf32>
    %select_n3A_62 = arith.select %gt3A_61, %get3A_60, %select_n3A_53 : vector<1x200x128xi1>, vector<1x200x128xf32>
    %jit3A_63 = arith.constant 4.000000e+00 : f32
    %broadcast_in_dim3A_64 = vector.broadcast %jit3A_63 : f32 to vector<1x200x128xf32>
    %select_n3A_65 = arith.select %gt3A_61, %broadcast_in_dim3A_64, %select_n3A_56 : vector<1x200x128xi1>, vector<1x200x128xf32>
    %get3A_66 = arith.constant 0 : index
    %get3A_67 = arith.constant 205 : index
    %get3A_68 = arith.constant 0 : index
    %get3A_69 = tpu.strided_load %arg2[%get3A_66, %get3A_67, %get3A_68] {strides = array<i32: 1, 45, 1>} : memref<1x9200x128xf32, #tpu.memory_space<vmem>>, vector<1x200x128xf32>
    %gt3A_70 = arith.cmpf ogt, %get3A_69, %select_n3A_62 : vector<1x200x128xf32>
    %select_n3A_71 = arith.select %gt3A_70, %get3A_69, %select_n3A_62 : vector<1x200x128xi1>, vector<1x200x128xf32>
    %jit3A_72 = arith.constant 5.000000e+00 : f32
    %broadcast_in_dim3A_73 = vector.broadcast %jit3A_72 : f32 to vector<1x200x128xf32>
    %select_n3A_74 = arith.select %gt3A_70, %broadcast_in_dim3A_73, %select_n3A_65 : vector<1x200x128xi1>, vector<1x200x128xf32>
    %get3A_75 = arith.constant 0 : index
    %get3A_76 = arith.constant 206 : index
    %get3A_77 = arith.constant 0 : index
    %get3A_78 = tpu.strided_load %arg2[%get3A_75, %get3A_76, %get3A_77] {strides = array<i32: 1, 45, 1>} : memref<1x9200x128xf32, #tpu.memory_space<vmem>>, vector<1x200x128xf32>
    %gt3A_79 = arith.cmpf ogt, %get3A_78, %select_n3A_71 : vector<1x200x128xf32>
    %select_n3A_80 = arith.select %gt3A_79, %get3A_78, %select_n3A_71 : vector<1x200x128xi1>, vector<1x200x128xf32>
    %jit3A_81 = arith.constant 6.000000e+00 : f32
    %broadcast_in_dim3A_82 = vector.broadcast %jit3A_81 : f32 to vector<1x200x128xf32>
    %select_n3A_83 = arith.select %gt3A_79, %broadcast_in_dim3A_82, %select_n3A_74 : vector<1x200x128xi1>, vector<1x200x128xf32>
    %get3A_84 = arith.constant 0 : index
    %get3A_85 = arith.constant 207 : index
    %get3A_86 = arith.constant 0 : index
    %get3A_87 = tpu.strided_load %arg2[%get3A_84, %get3A_85, %get3A_86] {strides = array<i32: 1, 45, 1>} : memref<1x9200x128xf32, #tpu.memory_space<vmem>>, vector<1x200x128xf32>
    %gt3A_88 = arith.cmpf ogt, %get3A_87, %select_n3A_80 : vector<1x200x128xf32>
    %select_n3A_89 = arith.select %gt3A_88, %get3A_87, %select_n3A_80 : vector<1x200x128xi1>, vector<1x200x128xf32>
    %jit3A_90 = arith.constant 7.000000e+00 : f32
    %broadcast_in_dim3A_91 = vector.broadcast %jit3A_90 : f32 to vector<1x200x128xf32>
    %select_n3A_92 = arith.select %gt3A_88, %broadcast_in_dim3A_91, %select_n3A_83 : vector<1x200x128xi1>, vector<1x200x128xf32>
    %get3A_93 = arith.constant 0 : index
    %get3A_94 = arith.constant 208 : index
    %get3A_95 = arith.constant 0 : index
    %get3A_96 = tpu.strided_load %arg2[%get3A_93, %get3A_94, %get3A_95] {strides = array<i32: 1, 45, 1>} : memref<1x9200x128xf32, #tpu.memory_space<vmem>>, vector<1x200x128xf32>
    %gt3A_97 = arith.cmpf ogt, %get3A_96, %select_n3A_89 : vector<1x200x128xf32>
    %select_n3A_98 = arith.select %gt3A_97, %get3A_96, %select_n3A_89 : vector<1x200x128xi1>, vector<1x200x128xf32>
    %jit3A_99 = arith.constant 8.000000e+00 : f32
    %broadcast_in_dim3A_100 = vector.broadcast %jit3A_99 : f32 to vector<1x200x128xf32>
    %select_n3A_101 = arith.select %gt3A_97, %broadcast_in_dim3A_100, %select_n3A_92 : vector<1x200x128xi1>, vector<1x200x128xf32>
    %get3A_102 = arith.constant 0 : index
    %get3A_103 = arith.constant 209 : index
    %get3A_104 = arith.constant 0 : index
    %get3A_105 = tpu.strided_load %arg2[%get3A_102, %get3A_103, %get3A_104] {strides = array<i32: 1, 45, 1>} : memref<1x9200x128xf32, #tpu.memory_space<vmem>>, vector<1x200x128xf32>
    %gt3A_106 = arith.cmpf ogt, %get3A_105, %select_n3A_98 : vector<1x200x128xf32>
    %select_n3A_107 = arith.select %gt3A_106, %get3A_105, %select_n3A_98 : vector<1x200x128xi1>, vector<1x200x128xf32>
    %jit3A_108 = arith.constant 9.000000e+00 : f32
    %broadcast_in_dim3A_109 = vector.broadcast %jit3A_108 : f32 to vector<1x200x128xf32>
    %select_n3A_110 = arith.select %gt3A_106, %broadcast_in_dim3A_109, %select_n3A_101 : vector<1x200x128xi1>, vector<1x200x128xf32>
    %get3A_111 = arith.constant 0 : index
    %get3A_112 = arith.constant 210 : index
    %get3A_113 = arith.constant 0 : index
    %get3A_114 = tpu.strided_load %arg2[%get3A_111, %get3A_112, %get3A_113] {strides = array<i32: 1, 45, 1>} : memref<1x9200x128xf32, #tpu.memory_space<vmem>>, vector<1x200x128xf32>
    %gt3A_115 = arith.cmpf ogt, %get3A_114, %select_n3A_107 : vector<1x200x128xf32>
    %select_n3A_116 = arith.select %gt3A_115, %get3A_114, %select_n3A_107 : vector<1x200x128xi1>, vector<1x200x128xf32>
    %jit3A_117 = arith.constant 1.000000e+01 : f32
    %broadcast_in_dim3A_118 = vector.broadcast %jit3A_117 : f32 to vector<1x200x128xf32>
    %select_n3A_119 = arith.select %gt3A_115, %broadcast_in_dim3A_118, %select_n3A_110 : vector<1x200x128xi1>, vector<1x200x128xf32>
    %get3A_120 = arith.constant 0 : index
    %get3A_121 = arith.constant 211 : index
    %get3A_122 = arith.constant 0 : index
    %get3A_123 = tpu.strided_load %arg2[%get3A_120, %get3A_121, %get3A_122] {strides = array<i32: 1, 45, 1>} : memref<1x9200x128xf32, #tpu.memory_space<vmem>>, vector<1x200x128xf32>
    %gt3A_124 = arith.cmpf ogt, %get3A_123, %select_n3A_116 : vector<1x200x128xf32>
    %select_n3A_125 = arith.select %gt3A_124, %get3A_123, %select_n3A_116 : vector<1x200x128xi1>, vector<1x200x128xf32>
    %jit3A_126 = arith.constant 1.100000e+01 : f32
    %broadcast_in_dim3A_127 = vector.broadcast %jit3A_126 : f32 to vector<1x200x128xf32>
    %select_n3A_128 = arith.select %gt3A_124, %broadcast_in_dim3A_127, %select_n3A_119 : vector<1x200x128xi1>, vector<1x200x128xf32>
    %get3A_129 = arith.constant 0 : index
    %get3A_130 = arith.constant 212 : index
    %get3A_131 = arith.constant 0 : index
    %get3A_132 = tpu.strided_load %arg2[%get3A_129, %get3A_130, %get3A_131] {strides = array<i32: 1, 45, 1>} : memref<1x9200x128xf32, #tpu.memory_space<vmem>>, vector<1x200x128xf32>
    %gt3A_133 = arith.cmpf ogt, %get3A_132, %select_n3A_125 : vector<1x200x128xf32>
    %select_n3A_134 = arith.select %gt3A_133, %get3A_132, %select_n3A_125 : vector<1x200x128xi1>, vector<1x200x128xf32>
    %jit3A_135 = arith.constant 1.200000e+01 : f32
    %broadcast_in_dim3A_136 = vector.broadcast %jit3A_135 : f32 to vector<1x200x128xf32>
    %select_n3A_137 = arith.select %gt3A_133, %broadcast_in_dim3A_136, %select_n3A_128 : vector<1x200x128xi1>, vector<1x200x128xf32>
    %get3A_138 = arith.constant 0 : index
    %get3A_139 = arith.constant 213 : index
    %get3A_140 = arith.constant 0 : index
    %get3A_141 = tpu.strided_load %arg2[%get3A_138, %get3A_139, %get3A_140] {strides = array<i32: 1, 45, 1>} : memref<1x9200x128xf32, #tpu.memory_space<vmem>>, vector<1x200x128xf32>
    %gt3A_142 = arith.cmpf ogt, %get3A_141, %select_n3A_134 : vector<1x200x128xf32>
    %select_n3A_143 = arith.select %gt3A_142, %get3A_141, %select_n3A_134 : vector<1x200x128xi1>, vector<1x200x128xf32>
    %jit3A_144 = arith.constant 1.300000e+01 : f32
    %broadcast_in_dim3A_145 = vector.broadcast %jit3A_144 : f32 to vector<1x200x128xf32>
    %select_n3A_146 = arith.select %gt3A_142, %broadcast_in_dim3A_145, %select_n3A_137 : vector<1x200x128xi1>, vector<1x200x128xf32>
    %get3A_147 = arith.constant 0 : index
    %get3A_148 = arith.constant 214 : index
    %get3A_149 = arith.constant 0 : index
    %get3A_150 = tpu.strided_load %arg2[%get3A_147, %get3A_148, %get3A_149] {strides = array<i32: 1, 45, 1>} : memref<1x9200x128xf32, #tpu.memory_space<vmem>>, vector<1x200x128xf32>
    %gt3A_151 = arith.cmpf ogt, %get3A_150, %select_n3A_143 : vector<1x200x128xf32>
    %select_n3A_152 = arith.select %gt3A_151, %get3A_150, %select_n3A_143 : vector<1x200x128xi1>, vector<1x200x128xf32>
    %jit3A_153 = arith.constant 1.400000e+01 : f32
    %broadcast_in_dim3A_154 = vector.broadcast %jit3A_153 : f32 to vector<1x200x128xf32>
    %select_n3A_155 = arith.select %gt3A_151, %broadcast_in_dim3A_154, %select_n3A_146 : vector<1x200x128xi1>, vector<1x200x128xf32>
    %get3A_156 = arith.constant 0 : index
    %get3A_157 = arith.constant 215 : index
    %get3A_158 = arith.constant 0 : index
    %get3A_159 = tpu.strided_load %arg2[%get3A_156, %get3A_157, %get3A_158] {strides = array<i32: 1, 45, 1>} : memref<1x9200x128xf32, #tpu.memory_space<vmem>>, vector<1x200x128xf32>
    %gt3A_160 = arith.cmpf ogt, %get3A_159, %select_n3A_152 : vector<1x200x128xf32>
    %select_n3A_161 = arith.select %gt3A_160, %get3A_159, %select_n3A_152 : vector<1x200x128xi1>, vector<1x200x128xf32>
    %jit3A_162 = arith.constant 1.500000e+01 : f32
    %broadcast_in_dim3A_163 = vector.broadcast %jit3A_162 : f32 to vector<1x200x128xf32>
    %select_n3A_164 = arith.select %gt3A_160, %broadcast_in_dim3A_163, %select_n3A_155 : vector<1x200x128xi1>, vector<1x200x128xf32>
    %get3A_165 = arith.constant 0 : index
    %get3A_166 = arith.constant 216 : index
    %get3A_167 = arith.constant 0 : index
    %get3A_168 = tpu.strided_load %arg2[%get3A_165, %get3A_166, %get3A_167] {strides = array<i32: 1, 45, 1>} : memref<1x9200x128xf32, #tpu.memory_space<vmem>>, vector<1x200x128xf32>
    %gt3A_169 = arith.cmpf ogt, %get3A_168, %select_n3A_161 : vector<1x200x128xf32>
    %select_n3A_170 = arith.select %gt3A_169, %get3A_168, %select_n3A_161 : vector<1x200x128xi1>, vector<1x200x128xf32>
    %jit3A_171 = arith.constant 1.600000e+01 : f32
    %broadcast_in_dim3A_172 = vector.broadcast %jit3A_171 : f32 to vector<1x200x128xf32>
    %select_n3A_173 = arith.select %gt3A_169, %broadcast_in_dim3A_172, %select_n3A_164 : vector<1x200x128xi1>, vector<1x200x128xf32>
    %get3A_174 = arith.constant 0 : index
    %get3A_175 = arith.constant 217 : index
    %get3A_176 = arith.constant 0 : index
    %get3A_177 = tpu.strided_load %arg2[%get3A_174, %get3A_175, %get3A_176] {strides = array<i32: 1, 45, 1>} : memref<1x9200x128xf32, #tpu.memory_space<vmem>>, vector<1x200x128xf32>
    %gt3A_178 = arith.cmpf ogt, %get3A_177, %select_n3A_170 : vector<1x200x128xf32>
    %select_n3A_179 = arith.select %gt3A_178, %get3A_177, %select_n3A_170 : vector<1x200x128xi1>, vector<1x200x128xf32>
    %jit3A_180 = arith.constant 1.700000e+01 : f32
    %broadcast_in_dim3A_181 = vector.broadcast %jit3A_180 : f32 to vector<1x200x128xf32>
    %select_n3A_182 = arith.select %gt3A_178, %broadcast_in_dim3A_181, %select_n3A_173 : vector<1x200x128xi1>, vector<1x200x128xf32>
    %get3A_183 = arith.constant 0 : index
    %get3A_184 = arith.constant 218 : index
    %get3A_185 = arith.constant 0 : index
    %get3A_186 = tpu.strided_load %arg2[%get3A_183, %get3A_184, %get3A_185] {strides = array<i32: 1, 45, 1>} : memref<1x9200x128xf32, #tpu.memory_space<vmem>>, vector<1x200x128xf32>
    %gt3A_187 = arith.cmpf ogt, %get3A_186, %select_n3A_179 : vector<1x200x128xf32>
    %select_n3A_188 = arith.select %gt3A_187, %get3A_186, %select_n3A_179 : vector<1x200x128xi1>, vector<1x200x128xf32>
    %jit3A_189 = arith.constant 1.800000e+01 : f32
    %broadcast_in_dim3A_190 = vector.broadcast %jit3A_189 : f32 to vector<1x200x128xf32>
    %select_n3A_191 = arith.select %gt3A_187, %broadcast_in_dim3A_190, %select_n3A_182 : vector<1x200x128xi1>, vector<1x200x128xf32>
    %get3A_192 = arith.constant 0 : index
    %get3A_193 = arith.constant 219 : index
    %get3A_194 = arith.constant 0 : index
    %get3A_195 = tpu.strided_load %arg2[%get3A_192, %get3A_193, %get3A_194] {strides = array<i32: 1, 45, 1>} : memref<1x9200x128xf32, #tpu.memory_space<vmem>>, vector<1x200x128xf32>
    %gt3A_196 = arith.cmpf ogt, %get3A_195, %select_n3A_188 : vector<1x200x128xf32>
    %select_n3A_197 = arith.select %gt3A_196, %get3A_195, %select_n3A_188 : vector<1x200x128xi1>, vector<1x200x128xf32>
    %jit3A_198 = arith.constant 1.900000e+01 : f32
    %broadcast_in_dim3A_199 = vector.broadcast %jit3A_198 : f32 to vector<1x200x128xf32>
    %select_n3A_200 = arith.select %gt3A_196, %broadcast_in_dim3A_199, %select_n3A_191 : vector<1x200x128xi1>, vector<1x200x128xf32>
    %get3A_201 = arith.constant 0 : index
    %get3A_202 = arith.constant 220 : index
    %get3A_203 = arith.constant 0 : index
    %get3A_204 = tpu.strided_load %arg2[%get3A_201, %get3A_202, %get3A_203] {strides = array<i32: 1, 45, 1>} : memref<1x9200x128xf32, #tpu.memory_space<vmem>>, vector<1x200x128xf32>
    %gt3A_205 = arith.cmpf ogt, %get3A_204, %select_n3A_197 : vector<1x200x128xf32>
    %select_n3A_206 = arith.select %gt3A_205, %get3A_204, %select_n3A_197 : vector<1x200x128xi1>, vector<1x200x128xf32>
    %jit3A_207 = arith.constant 2.000000e+01 : f32
    %broadcast_in_dim3A_208 = vector.broadcast %jit3A_207 : f32 to vector<1x200x128xf32>
    %select_n3A_209 = arith.select %gt3A_205, %broadcast_in_dim3A_208, %select_n3A_200 : vector<1x200x128xi1>, vector<1x200x128xf32>
    %get3A_210 = arith.constant 0 : index
    %get3A_211 = arith.constant 221 : index
    %get3A_212 = arith.constant 0 : index
    %get3A_213 = tpu.strided_load %arg2[%get3A_210, %get3A_211, %get3A_212] {strides = array<i32: 1, 45, 1>} : memref<1x9200x128xf32, #tpu.memory_space<vmem>>, vector<1x200x128xf32>
    %gt3A_214 = arith.cmpf ogt, %get3A_213, %select_n3A_206 : vector<1x200x128xf32>
    %select_n3A_215 = arith.select %gt3A_214, %get3A_213, %select_n3A_206 : vector<1x200x128xi1>, vector<1x200x128xf32>
    %jit3A_216 = arith.constant 2.100000e+01 : f32
    %broadcast_in_dim3A_217 = vector.broadcast %jit3A_216 : f32 to vector<1x200x128xf32>
    %select_n3A_218 = arith.select %gt3A_214, %broadcast_in_dim3A_217, %select_n3A_209 : vector<1x200x128xi1>, vector<1x200x128xf32>
    %get3A_219 = arith.constant 0 : index
    %get3A_220 = arith.constant 222 : index
    %get3A_221 = arith.constant 0 : index
    %get3A_222 = tpu.strided_load %arg2[%get3A_219, %get3A_220, %get3A_221] {strides = array<i32: 1, 45, 1>} : memref<1x9200x128xf32, #tpu.memory_space<vmem>>, vector<1x200x128xf32>
    %gt3A_223 = arith.cmpf ogt, %get3A_222, %select_n3A_215 : vector<1x200x128xf32>
    %select_n3A_224 = arith.select %gt3A_223, %get3A_222, %select_n3A_215 : vector<1x200x128xi1>, vector<1x200x128xf32>
    %jit3A_225 = arith.constant 2.200000e+01 : f32
    %broadcast_in_dim3A_226 = vector.broadcast %jit3A_225 : f32 to vector<1x200x128xf32>
    %select_n3A_227 = arith.select %gt3A_223, %broadcast_in_dim3A_226, %select_n3A_218 : vector<1x200x128xi1>, vector<1x200x128xf32>
    %get3A_228 = arith.constant 0 : index
    %get3A_229 = arith.constant 223 : index
    %get3A_230 = arith.constant 0 : index
    %get3A_231 = tpu.strided_load %arg2[%get3A_228, %get3A_229, %get3A_230] {strides = array<i32: 1, 45, 1>} : memref<1x9200x128xf32, #tpu.memory_space<vmem>>, vector<1x200x128xf32>
    %gt3A_232 = arith.cmpf ogt, %get3A_231, %select_n3A_224 : vector<1x200x128xf32>
    %select_n3A_233 = arith.select %gt3A_232, %get3A_231, %select_n3A_224 : vector<1x200x128xi1>, vector<1x200x128xf32>
    %jit3A_234 = arith.constant 2.300000e+01 : f32
    %broadcast_in_dim3A_235 = vector.broadcast %jit3A_234 : f32 to vector<1x200x128xf32>
    %select_n3A_236 = arith.select %gt3A_232, %broadcast_in_dim3A_235, %select_n3A_227 : vector<1x200x128xi1>, vector<1x200x128xf32>
    %get3A_237 = arith.constant 0 : index
    %get3A_238 = arith.constant 224 : index
    %get3A_239 = arith.constant 0 : index
    %get3A_240 = tpu.strided_load %arg2[%get3A_237, %get3A_238, %get3A_239] {strides = array<i32: 1, 45, 1>} : memref<1x9200x128xf32, #tpu.memory_space<vmem>>, vector<1x200x128xf32>
    %gt3A_241 = arith.cmpf ogt, %get3A_240, %select_n3A_233 : vector<1x200x128xf32>
    %select_n3A_242 = arith.select %gt3A_241, %get3A_240, %select_n3A_233 : vector<1x200x128xi1>, vector<1x200x128xf32>
    %jit3A_243 = arith.constant 2.400000e+01 : f32
    %broadcast_in_dim3A_244 = vector.broadcast %jit3A_243 : f32 to vector<1x200x128xf32>
    %select_n3A_245 = arith.select %gt3A_241, %broadcast_in_dim3A_244, %select_n3A_236 : vector<1x200x128xi1>, vector<1x200x128xf32>
    %get3A_246 = arith.constant 0 : index
    %get3A_247 = arith.constant 225 : index
    %get3A_248 = arith.constant 0 : index
    %get3A_249 = tpu.strided_load %arg2[%get3A_246, %get3A_247, %get3A_248] {strides = array<i32: 1, 45, 1>} : memref<1x9200x128xf32, #tpu.memory_space<vmem>>, vector<1x200x128xf32>
    %gt3A_250 = arith.cmpf ogt, %get3A_249, %select_n3A_242 : vector<1x200x128xf32>
    %select_n3A_251 = arith.select %gt3A_250, %get3A_249, %select_n3A_242 : vector<1x200x128xi1>, vector<1x200x128xf32>
    %jit3A_252 = arith.constant 2.500000e+01 : f32
    %broadcast_in_dim3A_253 = vector.broadcast %jit3A_252 : f32 to vector<1x200x128xf32>
    %select_n3A_254 = arith.select %gt3A_250, %broadcast_in_dim3A_253, %select_n3A_245 : vector<1x200x128xi1>, vector<1x200x128xf32>
    %get3A_255 = arith.constant 0 : index
    %get3A_256 = arith.constant 226 : index
    %get3A_257 = arith.constant 0 : index
    %get3A_258 = tpu.strided_load %arg2[%get3A_255, %get3A_256, %get3A_257] {strides = array<i32: 1, 45, 1>} : memref<1x9200x128xf32, #tpu.memory_space<vmem>>, vector<1x200x128xf32>
    %gt3A_259 = arith.cmpf ogt, %get3A_258, %select_n3A_251 : vector<1x200x128xf32>
    %select_n3A_260 = arith.select %gt3A_259, %get3A_258, %select_n3A_251 : vector<1x200x128xi1>, vector<1x200x128xf32>
    %jit3A_261 = arith.constant 2.600000e+01 : f32
    %broadcast_in_dim3A_262 = vector.broadcast %jit3A_261 : f32 to vector<1x200x128xf32>
    %select_n3A_263 = arith.select %gt3A_259, %broadcast_in_dim3A_262, %select_n3A_254 : vector<1x200x128xi1>, vector<1x200x128xf32>
    %get3A_264 = arith.constant 0 : index
    %get3A_265 = arith.constant 227 : index
    %get3A_266 = arith.constant 0 : index
    %get3A_267 = tpu.strided_load %arg2[%get3A_264, %get3A_265, %get3A_266] {strides = array<i32: 1, 45, 1>} : memref<1x9200x128xf32, #tpu.memory_space<vmem>>, vector<1x200x128xf32>
    %gt3A_268 = arith.cmpf ogt, %get3A_267, %select_n3A_260 : vector<1x200x128xf32>
    %select_n3A_269 = arith.select %gt3A_268, %get3A_267, %select_n3A_260 : vector<1x200x128xi1>, vector<1x200x128xf32>
    %jit3A_270 = arith.constant 2.700000e+01 : f32
    %broadcast_in_dim3A_271 = vector.broadcast %jit3A_270 : f32 to vector<1x200x128xf32>
    %select_n3A_272 = arith.select %gt3A_268, %broadcast_in_dim3A_271, %select_n3A_263 : vector<1x200x128xi1>, vector<1x200x128xf32>
    %get3A_273 = arith.constant 0 : index
    %get3A_274 = arith.constant 228 : index
    %get3A_275 = arith.constant 0 : index
    %get3A_276 = tpu.strided_load %arg2[%get3A_273, %get3A_274, %get3A_275] {strides = array<i32: 1, 45, 1>} : memref<1x9200x128xf32, #tpu.memory_space<vmem>>, vector<1x200x128xf32>
    %gt3A_277 = arith.cmpf ogt, %get3A_276, %select_n3A_269 : vector<1x200x128xf32>
    %select_n3A_278 = arith.select %gt3A_277, %get3A_276, %select_n3A_269 : vector<1x200x128xi1>, vector<1x200x128xf32>
    %jit3A_279 = arith.constant 2.800000e+01 : f32
    %broadcast_in_dim3A_280 = vector.broadcast %jit3A_279 : f32 to vector<1x200x128xf32>
    %select_n3A_281 = arith.select %gt3A_277, %broadcast_in_dim3A_280, %select_n3A_272 : vector<1x200x128xi1>, vector<1x200x128xf32>
    %get3A_282 = arith.constant 0 : index
    %get3A_283 = arith.constant 229 : index
    %get3A_284 = arith.constant 0 : index
    %get3A_285 = tpu.strided_load %arg2[%get3A_282, %get3A_283, %get3A_284] {strides = array<i32: 1, 45, 1>} : memref<1x9200x128xf32, #tpu.memory_space<vmem>>, vector<1x200x128xf32>
    %gt3A_286 = arith.cmpf ogt, %get3A_285, %select_n3A_278 : vector<1x200x128xf32>
    %select_n3A_287 = arith.select %gt3A_286, %get3A_285, %select_n3A_278 : vector<1x200x128xi1>, vector<1x200x128xf32>
    %jit3A_288 = arith.constant 2.900000e+01 : f32
    %broadcast_in_dim3A_289 = vector.broadcast %jit3A_288 : f32 to vector<1x200x128xf32>
    %select_n3A_290 = arith.select %gt3A_286, %broadcast_in_dim3A_289, %select_n3A_281 : vector<1x200x128xi1>, vector<1x200x128xf32>
    %get3A_291 = arith.constant 0 : index
    %get3A_292 = arith.constant 230 : index
    %get3A_293 = arith.constant 0 : index
    %get3A_294 = tpu.strided_load %arg2[%get3A_291, %get3A_292, %get3A_293] {strides = array<i32: 1, 45, 1>} : memref<1x9200x128xf32, #tpu.memory_space<vmem>>, vector<1x200x128xf32>
    %gt3A_295 = arith.cmpf ogt, %get3A_294, %select_n3A_287 : vector<1x200x128xf32>
    %select_n3A_296 = arith.select %gt3A_295, %get3A_294, %select_n3A_287 : vector<1x200x128xi1>, vector<1x200x128xf32>
    %jit3A_297 = arith.constant 3.000000e+01 : f32
    %broadcast_in_dim3A_298 = vector.broadcast %jit3A_297 : f32 to vector<1x200x128xf32>
    %select_n3A_299 = arith.select %gt3A_295, %broadcast_in_dim3A_298, %select_n3A_290 : vector<1x200x128xi1>, vector<1x200x128xf32>
    %get3A_300 = arith.constant 0 : index
    %get3A_301 = arith.constant 231 : index
    %get3A_302 = arith.constant 0 : index
    %get3A_303 = tpu.strided_load %arg2[%get3A_300, %get3A_301, %get3A_302] {strides = array<i32: 1, 45, 1>} : memref<1x9200x128xf32, #tpu.memory_space<vmem>>, vector<1x200x128xf32>
    %gt3A_304 = arith.cmpf ogt, %get3A_303, %select_n3A_296 : vector<1x200x128xf32>
    %select_n3A_305 = arith.select %gt3A_304, %get3A_303, %select_n3A_296 : vector<1x200x128xi1>, vector<1x200x128xf32>
    %jit3A_306 = arith.constant 3.100000e+01 : f32
    %broadcast_in_dim3A_307 = vector.broadcast %jit3A_306 : f32 to vector<1x200x128xf32>
    %select_n3A_308 = arith.select %gt3A_304, %broadcast_in_dim3A_307, %select_n3A_299 : vector<1x200x128xi1>, vector<1x200x128xf32>
    %get3A_309 = arith.constant 0 : index
    %get3A_310 = arith.constant 232 : index
    %get3A_311 = arith.constant 0 : index
    %get3A_312 = tpu.strided_load %arg2[%get3A_309, %get3A_310, %get3A_311] {strides = array<i32: 1, 45, 1>} : memref<1x9200x128xf32, #tpu.memory_space<vmem>>, vector<1x200x128xf32>
    %gt3A_313 = arith.cmpf ogt, %get3A_312, %select_n3A_305 : vector<1x200x128xf32>
    %select_n3A_314 = arith.select %gt3A_313, %get3A_312, %select_n3A_305 : vector<1x200x128xi1>, vector<1x200x128xf32>
    %jit3A_315 = arith.constant 3.200000e+01 : f32
    %broadcast_in_dim3A_316 = vector.broadcast %jit3A_315 : f32 to vector<1x200x128xf32>
    %select_n3A_317 = arith.select %gt3A_313, %broadcast_in_dim3A_316, %select_n3A_308 : vector<1x200x128xi1>, vector<1x200x128xf32>
    %get3A_318 = arith.constant 0 : index
    %get3A_319 = arith.constant 233 : index
    %get3A_320 = arith.constant 0 : index
    %get3A_321 = tpu.strided_load %arg2[%get3A_318, %get3A_319, %get3A_320] {strides = array<i32: 1, 45, 1>} : memref<1x9200x128xf32, #tpu.memory_space<vmem>>, vector<1x200x128xf32>
    %gt3A_322 = arith.cmpf ogt, %get3A_321, %select_n3A_314 : vector<1x200x128xf32>
    %select_n3A_323 = arith.select %gt3A_322, %get3A_321, %select_n3A_314 : vector<1x200x128xi1>, vector<1x200x128xf32>
    %jit3A_324 = arith.constant 3.300000e+01 : f32
    %broadcast_in_dim3A_325 = vector.broadcast %jit3A_324 : f32 to vector<1x200x128xf32>
    %select_n3A_326 = arith.select %gt3A_322, %broadcast_in_dim3A_325, %select_n3A_317 : vector<1x200x128xi1>, vector<1x200x128xf32>
    %get3A_327 = arith.constant 0 : index
    %get3A_328 = arith.constant 234 : index
    %get3A_329 = arith.constant 0 : index
    %get3A_330 = tpu.strided_load %arg2[%get3A_327, %get3A_328, %get3A_329] {strides = array<i32: 1, 45, 1>} : memref<1x9200x128xf32, #tpu.memory_space<vmem>>, vector<1x200x128xf32>
    %gt3A_331 = arith.cmpf ogt, %get3A_330, %select_n3A_323 : vector<1x200x128xf32>
    %select_n3A_332 = arith.select %gt3A_331, %get3A_330, %select_n3A_323 : vector<1x200x128xi1>, vector<1x200x128xf32>
    %jit3A_333 = arith.constant 3.400000e+01 : f32
    %broadcast_in_dim3A_334 = vector.broadcast %jit3A_333 : f32 to vector<1x200x128xf32>
    %select_n3A_335 = arith.select %gt3A_331, %broadcast_in_dim3A_334, %select_n3A_326 : vector<1x200x128xi1>, vector<1x200x128xf32>
    %get3A_336 = arith.constant 0 : index
    %get3A_337 = arith.constant 235 : index
    %get3A_338 = arith.constant 0 : index
    %get3A_339 = tpu.strided_load %arg2[%get3A_336, %get3A_337, %get3A_338] {strides = array<i32: 1, 45, 1>} : memref<1x9200x128xf32, #tpu.memory_space<vmem>>, vector<1x200x128xf32>
    %gt3A_340 = arith.cmpf ogt, %get3A_339, %select_n3A_332 : vector<1x200x128xf32>
    %select_n3A_341 = arith.select %gt3A_340, %get3A_339, %select_n3A_332 : vector<1x200x128xi1>, vector<1x200x128xf32>
    %jit3A_342 = arith.constant 3.500000e+01 : f32
    %broadcast_in_dim3A_343 = vector.broadcast %jit3A_342 : f32 to vector<1x200x128xf32>
    %select_n3A_344 = arith.select %gt3A_340, %broadcast_in_dim3A_343, %select_n3A_335 : vector<1x200x128xi1>, vector<1x200x128xf32>
    %get3A_345 = arith.constant 0 : index
    %get3A_346 = arith.constant 236 : index
    %get3A_347 = arith.constant 0 : index
    %get3A_348 = tpu.strided_load %arg2[%get3A_345, %get3A_346, %get3A_347] {strides = array<i32: 1, 45, 1>} : memref<1x9200x128xf32, #tpu.memory_space<vmem>>, vector<1x200x128xf32>
    %gt3A_349 = arith.cmpf ogt, %get3A_348, %select_n3A_341 : vector<1x200x128xf32>
    %select_n3A_350 = arith.select %gt3A_349, %get3A_348, %select_n3A_341 : vector<1x200x128xi1>, vector<1x200x128xf32>
    %jit3A_351 = arith.constant 3.600000e+01 : f32
    %broadcast_in_dim3A_352 = vector.broadcast %jit3A_351 : f32 to vector<1x200x128xf32>
    %select_n3A_353 = arith.select %gt3A_349, %broadcast_in_dim3A_352, %select_n3A_344 : vector<1x200x128xi1>, vector<1x200x128xf32>
    %get3A_354 = arith.constant 0 : index
    %get3A_355 = arith.constant 237 : index
    %get3A_356 = arith.constant 0 : index
    %get3A_357 = tpu.strided_load %arg2[%get3A_354, %get3A_355, %get3A_356] {strides = array<i32: 1, 45, 1>} : memref<1x9200x128xf32, #tpu.memory_space<vmem>>, vector<1x200x128xf32>
    %gt3A_358 = arith.cmpf ogt, %get3A_357, %select_n3A_350 : vector<1x200x128xf32>
    %select_n3A_359 = arith.select %gt3A_358, %get3A_357, %select_n3A_350 : vector<1x200x128xi1>, vector<1x200x128xf32>
    %jit3A_360 = arith.constant 3.700000e+01 : f32
    %broadcast_in_dim3A_361 = vector.broadcast %jit3A_360 : f32 to vector<1x200x128xf32>
    %select_n3A_362 = arith.select %gt3A_358, %broadcast_in_dim3A_361, %select_n3A_353 : vector<1x200x128xi1>, vector<1x200x128xf32>
    %get3A_363 = arith.constant 0 : index
    %get3A_364 = arith.constant 238 : index
    %get3A_365 = arith.constant 0 : index
    %get3A_366 = tpu.strided_load %arg2[%get3A_363, %get3A_364, %get3A_365] {strides = array<i32: 1, 45, 1>} : memref<1x9200x128xf32, #tpu.memory_space<vmem>>, vector<1x200x128xf32>
    %gt3A_367 = arith.cmpf ogt, %get3A_366, %select_n3A_359 : vector<1x200x128xf32>
    %select_n3A_368 = arith.select %gt3A_367, %get3A_366, %select_n3A_359 : vector<1x200x128xi1>, vector<1x200x128xf32>
    %jit3A_369 = arith.constant 3.800000e+01 : f32
    %broadcast_in_dim3A_370 = vector.broadcast %jit3A_369 : f32 to vector<1x200x128xf32>
    %select_n3A_371 = arith.select %gt3A_367, %broadcast_in_dim3A_370, %select_n3A_362 : vector<1x200x128xi1>, vector<1x200x128xf32>
    %get3A_372 = arith.constant 0 : index
    %get3A_373 = arith.constant 239 : index
    %get3A_374 = arith.constant 0 : index
    %get3A_375 = tpu.strided_load %arg2[%get3A_372, %get3A_373, %get3A_374] {strides = array<i32: 1, 45, 1>} : memref<1x9200x128xf32, #tpu.memory_space<vmem>>, vector<1x200x128xf32>
    %gt3A_376 = arith.cmpf ogt, %get3A_375, %select_n3A_368 : vector<1x200x128xf32>
    %select_n3A_377 = arith.select %gt3A_376, %get3A_375, %select_n3A_368 : vector<1x200x128xi1>, vector<1x200x128xf32>
    %jit3A_378 = arith.constant 3.900000e+01 : f32
    %broadcast_in_dim3A_379 = vector.broadcast %jit3A_378 : f32 to vector<1x200x128xf32>
    %select_n3A_380 = arith.select %gt3A_376, %broadcast_in_dim3A_379, %select_n3A_371 : vector<1x200x128xi1>, vector<1x200x128xf32>
    %get3A_381 = arith.constant 0 : index
    %get3A_382 = arith.constant 240 : index
    %get3A_383 = arith.constant 0 : index
    %get3A_384 = tpu.strided_load %arg2[%get3A_381, %get3A_382, %get3A_383] {strides = array<i32: 1, 45, 1>} : memref<1x9200x128xf32, #tpu.memory_space<vmem>>, vector<1x200x128xf32>
    %gt3A_385 = arith.cmpf ogt, %get3A_384, %select_n3A_377 : vector<1x200x128xf32>
    %select_n3A_386 = arith.select %gt3A_385, %get3A_384, %select_n3A_377 : vector<1x200x128xi1>, vector<1x200x128xf32>
    %jit3A_387 = arith.constant 4.000000e+01 : f32
    %broadcast_in_dim3A_388 = vector.broadcast %jit3A_387 : f32 to vector<1x200x128xf32>
    %select_n3A_389 = arith.select %gt3A_385, %broadcast_in_dim3A_388, %select_n3A_380 : vector<1x200x128xi1>, vector<1x200x128xf32>
    %get3A_390 = arith.constant 0 : index
    %get3A_391 = arith.constant 241 : index
    %get3A_392 = arith.constant 0 : index
    %get3A_393 = tpu.strided_load %arg2[%get3A_390, %get3A_391, %get3A_392] {strides = array<i32: 1, 45, 1>} : memref<1x9200x128xf32, #tpu.memory_space<vmem>>, vector<1x200x128xf32>
    %gt3A_394 = arith.cmpf ogt, %get3A_393, %select_n3A_386 : vector<1x200x128xf32>
    %select_n3A_395 = arith.select %gt3A_394, %get3A_393, %select_n3A_386 : vector<1x200x128xi1>, vector<1x200x128xf32>
    %jit3A_396 = arith.constant 4.100000e+01 : f32
    %broadcast_in_dim3A_397 = vector.broadcast %jit3A_396 : f32 to vector<1x200x128xf32>
    %select_n3A_398 = arith.select %gt3A_394, %broadcast_in_dim3A_397, %select_n3A_389 : vector<1x200x128xi1>, vector<1x200x128xf32>
    %get3A_399 = arith.constant 0 : index
    %get3A_400 = arith.constant 242 : index
    %get3A_401 = arith.constant 0 : index
    %get3A_402 = tpu.strided_load %arg2[%get3A_399, %get3A_400, %get3A_401] {strides = array<i32: 1, 45, 1>} : memref<1x9200x128xf32, #tpu.memory_space<vmem>>, vector<1x200x128xf32>
    %gt3A_403 = arith.cmpf ogt, %get3A_402, %select_n3A_395 : vector<1x200x128xf32>
    %select_n3A_404 = arith.select %gt3A_403, %get3A_402, %select_n3A_395 : vector<1x200x128xi1>, vector<1x200x128xf32>
    %jit3A_405 = arith.constant 4.200000e+01 : f32
    %broadcast_in_dim3A_406 = vector.broadcast %jit3A_405 : f32 to vector<1x200x128xf32>
    %select_n3A_407 = arith.select %gt3A_403, %broadcast_in_dim3A_406, %select_n3A_398 : vector<1x200x128xi1>, vector<1x200x128xf32>
    %get3A_408 = arith.constant 0 : index
    %get3A_409 = arith.constant 243 : index
    %get3A_410 = arith.constant 0 : index
    %get3A_411 = tpu.strided_load %arg2[%get3A_408, %get3A_409, %get3A_410] {strides = array<i32: 1, 45, 1>} : memref<1x9200x128xf32, #tpu.memory_space<vmem>>, vector<1x200x128xf32>
    %gt3A_412 = arith.cmpf ogt, %get3A_411, %select_n3A_404 : vector<1x200x128xf32>
    %select_n3A_413 = arith.select %gt3A_412, %get3A_411, %select_n3A_404 : vector<1x200x128xi1>, vector<1x200x128xf32>
    %jit3A_414 = arith.constant 4.300000e+01 : f32
    %broadcast_in_dim3A_415 = vector.broadcast %jit3A_414 : f32 to vector<1x200x128xf32>
    %select_n3A_416 = arith.select %gt3A_412, %broadcast_in_dim3A_415, %select_n3A_407 : vector<1x200x128xi1>, vector<1x200x128xf32>
    %get3A_417 = arith.constant 0 : index
    %get3A_418 = arith.constant 244 : index
    %get3A_419 = arith.constant 0 : index
    %get3A_420 = tpu.strided_load %arg2[%get3A_417, %get3A_418, %get3A_419] {strides = array<i32: 1, 45, 1>} : memref<1x9200x128xf32, #tpu.memory_space<vmem>>, vector<1x200x128xf32>
    %gt3A_421 = arith.cmpf ogt, %get3A_420, %select_n3A_413 : vector<1x200x128xf32>
    %select_n3A_422 = arith.select %gt3A_421, %get3A_420, %select_n3A_413 : vector<1x200x128xi1>, vector<1x200x128xf32>
    %jit3A_423 = arith.constant 4.400000e+01 : f32
    %broadcast_in_dim3A_424 = vector.broadcast %jit3A_423 : f32 to vector<1x200x128xf32>
    %select_n3A_425 = arith.select %gt3A_421, %broadcast_in_dim3A_424, %select_n3A_416 : vector<1x200x128xi1>, vector<1x200x128xf32>
    %squeeze3A_426 = vector.shape_cast %select_n3A_422 : vector<1x200x128xf32> to vector<200x128xf32>
    %swap3A_427 = arith.constant 0 : index
    %swap3A_428 = arith.constant 0 : index
    %swap3A_429 = arith.constant 0 : index
    %swap3A_430 = arith.constant 0 : index
    %swap3A_431 = vector.load %arg6[%swap3A_427, %swap3A_428, %swap3A_429, %swap3A_430] : memref<1x1x400x128xf32, #tpu.memory_space<vmem>>, vector<1x1x200x128xf32>
    %swap3A_432 = vector.shape_cast %swap3A_431 : vector<1x1x200x128xf32> to vector<200x128xf32>
    %swap3A_433 = vector.shape_cast %squeeze3A_426 : vector<200x128xf32> to vector<1x1x200x128xf32>
    tpu.vector_store %arg6[%swap3A_427, %swap3A_428, %swap3A_429, %swap3A_430], %swap3A_433 {strides = array<i32>} : memref<1x1x400x128xf32, #tpu.memory_space<vmem>>, vector<1x1x200x128xf32>,
    %squeeze3A_434 = vector.shape_cast %select_n3A_425 : vector<1x200x128xf32> to vector<200x128xf32>
    %swap3A_435 = arith.constant 0 : index
    %swap3A_436 = arith.constant 0 : index
    %swap3A_437 = arith.constant 200 : index
    %swap3A_438 = arith.constant 0 : index
    %swap3A_439 = vector.load %arg6[%swap3A_435, %swap3A_436, %swap3A_437, %swap3A_438] : memref<1x1x400x128xf32, #tpu.memory_space<vmem>>, vector<1x1x200x128xf32>
    %swap3A_440 = vector.shape_cast %swap3A_439 : vector<1x1x200x128xf32> to vector<200x128xf32>
    %swap3A_441 = vector.shape_cast %squeeze3A_434 : vector<200x128xf32> to vector<1x1x200x128xf32>
    tpu.vector_store %arg6[%swap3A_435, %swap3A_436, %swap3A_437, %swap3A_438], %swap3A_441 {strides = array<i32>} : memref<1x1x400x128xf32, #tpu.memory_space<vmem>>, vector<1x1x200x128xf32>,
    return
  }
  func.func @transform_0(%arg0: i32, %arg1: i32) -> (i32, i32, i32) {
    %c0_i32 = arith.constant 0 : i32
    %c0_i32_0 = arith.constant 0 : i32
    return %arg0, %c0_i32, %arg1 : i32, i32, i32
  }
  func.func @transform_1(%arg0: i32, %arg1: i32) -> (i32, i32, i32) {
    %c0_i32 = arith.constant 0 : i32
    %c0_i32_0 = arith.constant 0 : i32
    return %arg0, %c0_i32, %arg1 : i32, i32, i32
  }
  func.func @transform_2(%arg0: i32, %arg1: i32) -> (i32, i32, i32, i32) {
    %c0_i32 = arith.constant 0 : i32
    %c0_i32_0 = arith.constant 0 : i32
    %c0_i32_1 = arith.constant 0 : i32
    return %arg0, %arg1, %c0_i32, %c0_i32_0 : i32, i32, i32, i32
  }
  func.func @transform_3(%arg0: i32, %arg1: i32) -> (i32, i32, i32, i32) {
    %c0_i32 = arith.constant 0 : i32
    %c0_i32_0 = arith.constant 0 : i32
    %c0_i32_1 = arith.constant 0 : i32
    return %arg0, %arg1, %c0_i32, %c0_i32_0 : i32, i32, i32, i32
  }
  func.func @transform_4(%arg0: i32, %arg1: i32) -> (i32, i32, i32, i32) {
    %c0_i32 = arith.constant 0 : i32
    %c0_i32_0 = arith.constant 0 : i32
    %c0_i32_1 = arith.constant 0 : i32
    return %arg0, %arg1, %c0_i32, %c0_i32_0 : i32, i32, i32, i32
  }
}

</mosaic_0001>

<sc_bundles>
// kernel: kernel.5.cloned.1.call-start
scs
__scs_entry_jumppad:
0x0: {  	(pc) =	sbr.rel $0x88, $3  }
0x1: {  	(tag) =	ssettag $0x0;
	lr =	simm.s32 $0x1  }
0x2: {  	[smem:$0x3F9F] =	sst lr;
	_ =	strace $0xD0000000  }
0x3: {  	_ = 	snop  }
0x4: {  	_ = 	snop  }
0x5: {  	_ = 	snop  }
0x6: {  	_ = 	snop  }
0x7: {  	_ = 	snop  }
__scs_overlays_trampoline_lowered:
0x8: {  	[smem:$0x3FAE] =	sst s0  }
0x9: {  	[smem:$0x3FAF] =	sst s1  }
0xa: {  	[smem:$0x3FB0] =	sst s2  }
0xb: {  	[smem:$0x3FB1] =	sst s3  }
0xc: {  	[smem:$0x3FB2] =	sst s4  }
0xd: {  	[smem:$0x3FB3] =	sst s5  }
0xe: {  	[smem:$0x3FB4] =	sst s6  }
0xf: {  	[smem:$0x3FB5] =	sst s7  }
0x10: {  	[smem:$0x3FB6] =	sst s8  }
0x11: {  	[smem:$0x3FB7] =	sst s9;
	s0 =	simm.s32 @!p0 $0x0  }
0x12: {  	s1 =	sld [smem:$0x3F9D];
	s0 =	simm.s32 @p0 $0x1  }
0x13: {  	[smem:$0x3FB8] =	sst s0;
	s0 =	simm.s32 @!p1 $0x0  }
0x14: {  	s2 =	sld [smem:$0x3F9C];
	s0 =	simm.s32 @p1 $0x1  }
0x15: {  	[smem:$0x3FB9] =	sst s0;
	s0 =	simm.s32 @!p2 $0x0  }
0x16: {  	s3 =	sld [smem:$0x3FDB];
	s0 =	simm.s32 @p2 $0x1  }
0x17: {  	s4 =	simm.s32 $0x1BF5;
	[smem:$0x3FBB] =	sst s0  }
0x18: {  	s0 =	sld [smem:$0x3F9E];
	_ =	swait.ge [sflag:s4], $0x0  }
0x19: {  	s7 =	sld [smem:$0x3F9F]  }
0x1a: {  	s8 =	sadd.s32 $0xFFFFE003, lr  }
0x1b: {  	s9 =	sadd.s32 $0xFFFFFEF7, lr;
	s5 =	simm.s32 $0xFFFFFFFF;
	p2 =	slt.u32 s8, $0xFFFFF086  }
0x1c: {  	p1 =	slt.u32 s9, $0xF7A;
	s5 =	simm.s32 @!p2 $0x0  }
0x1d: {  	s5 =	simm.s32 @p1 $0x1;
	p0 =	seq.s32 s7, s2  }
0x1e: {  	s7 =	smul.u32 @!p0 $0xF7A, s2;
	p2 =	seq.s32 @!p0 s5, $0x0  }
0x1f: {  	s9 =	smul.u32 $0xF7A, s1;
	s8 =	simm.s32 @!p0 $0x1BF5;
	p2 =	por !p2, p0  }
0x20: {  	[sflag:s8] =	ssyncset.s32 @!p0 $0xFFFFF086;
	s6 =	sadd.s32 @!p0 s3, s7;
	s7 =	simm.s32 @!p0 $0x108  }
0x21: {  	s3 =	sadd.s32 s3, s9;
	s6 =	sadd.s32 @!p0 $0x88, s6;
	s7 =	simm.s32 @p2 $0x1082  }
0x22: {  	[simem:s7], [sflag:s8] =	dma.local @!p0 [hbm:s6], $0xF7A  }
0x23: {  	s9 =	sor.u32 $0xD0000000, s2;
	s6 =	simm.s32 $0x108;
	_ =	swait.ge @!p0 [sflag:s8], $0x0  }
0x24: {  	s3 =	sadd.s32 $0x88, s3;
	s6 =	simm.s32 @!p1 $0x1082;
	[sflag:s4] =	ssyncset.s32 $0xFFFFF086  }
0x25: {  	[simem:s6], [sflag:s4] =	dma.local [hbm:s3], $0xF7A  }
0x26: {  	[smem:$0x3F9F] =	sst s1;
	(tag) =	ssettag s2;
	_ =	strace s9  }
0x27: {  	s1 =	sld [smem:$0x3FAF]  }
0x28: {  	s2 =	sld [smem:$0x3FB0]  }
0x29: {  	s4 =	sld [smem:$0x3FB2]  }
0x2a: {  	p0 =	seq.s32 s5, $0x0;
	s5 =	sld [smem:$0x3FB3]  }
0x2b: {  	s6 =	sld [smem:$0x3FB4]  }
0x2c: {  	s7 =	sld [smem:$0x3FB5]  }
0x2d: {  	s3 =	simm.s32 $0x108;
	s8 =	sld [smem:$0x3FB6]  }
0x2e: {  	s3 =	simm.s32 @!p0 $0x1082;
	s9 =	sld [smem:$0x3FB7]  }
0x2f: {  	lr =	sadd.s32 s0, s3;
	s0 =	sld [smem:$0x3FAE]  }
0x30: {  	s3 =	sld [smem:$0x3FB1]  }
0x31: {  	[smem:$0x3FBA] =	sst s10  }
0x32: {  	s10 =	sld [smem:$0x3FB8];
	_ =	sdelay $0x3  }
0x33: {  	p0 =	seq.s32 s10, $0x1;
	s10 =	sld [smem:$0x3FBA];
	_ =	sdelay $0x3  }
0x34: {  	[smem:$0x3FBA] =	sst s10  }
0x35: {  	s10 =	sld [smem:$0x3FB9];
	_ =	sdelay $0x3  }
0x36: {  	p1 =	seq.s32 s10, $0x1;
	s10 =	sld [smem:$0x3FBA];
	_ =	sdelay $0x3  }
0x37: {  	[smem:$0x3FBA] =	sst s10  }
0x38: {  	s10 =	sld [smem:$0x3FBB]  }
0x39: {  	_ = 	snop;
	(pc) =	sbr.ind lr, $3  }
0x3a: {  	_ = 	snop  }
0x3b: {  	_ = 	snop  }
0x3c: {  	p2 =	seq.s32 s10, $0x1;
	s10 =	sld [smem:$0x3FBA]  }
0x3d: {  	_ =	shalt  }
0x3e: {  	_ =	shalt  }
0x3f: {  	_ =	shalt  }
0x40: {  	_ =	shalt  }
0x41: {  	_ =	shalt  }
0x42: {  	_ =	shalt  }
0x43: {  	_ =	shalt  }
0x44: {  	_ =	shalt  }
0x45: {  	_ =	shalt  }
0x46: {  	_ =	shalt  }
0x47: {  	_ =	shalt  }
0x48: {  	_ =	shalt  }
0x49: {  	_ =	shalt  }
0x4a: {  	_ =	shalt  }
0x4b: {  	_ =	shalt  }
0x4c: {  	_ =	shalt  }
0x4d: {  	_ =	shalt  }
0x4e: {  	_ =	shalt  }
0x4f: {  	_ =	shalt  }
0x50: {  	_ =	shalt  }
0x51: {  	_ =	shalt  }
0x52: {  	_ =	shalt  }
0x53: {  	_ =	shalt  }
0x54: {  	_ =	shalt  }
0x55: {  	_ =	shalt  }
0x56: {  	_ =	shalt  }
0x57: {  	_ =	shalt  }
0x58: {  	_ =	shalt  }
0x59: {  	_ =	shalt  }
0x5a: {  	_ =	shalt  }
0x5b: {  	_ =	shalt  }
0x5c: {  	_ =	shalt  }
0x5d: {  	_ =	shalt  }
0x5e: {  	_ =	shalt  }
0x5f: {  	_ =	shalt  }
0x60: {  	_ =	shalt  }
0x61: {  	_ =	shalt  }
0x62: {  	_ =	shalt  }
0x63: {  	_ =	shalt  }
0x64: {  	_ =	shalt  }
0x65: {  	_ =	shalt  }
0x66: {  	_ =	shalt  }
0x67: {  	_ =	shalt  }
0x68: {  	_ =	shalt  }
0x69: {  	_ =	shalt  }
0x6a: {  	_ =	shalt  }
0x6b: {  	_ =	shalt  }
0x6c: {  	_ =	shalt  }
0x6d: {  	_ =	shalt  }
0x6e: {  	_ =	shalt  }
0x6f: {  	_ =	shalt  }
0x70: {  	_ =	shalt  }
0x71: {  	_ =	shalt  }
0x72: {  	_ =	shalt  }
0x73: {  	_ =	shalt  }
0x74: {  	_ =	shalt  }
0x75: {  	_ =	shalt  }
0x76: {  	_ =	shalt  }
0x77: {  	_ =	shalt  }
0x78: {  	_ =	shalt  }
0x79: {  	_ =	shalt  }
0x7a: {  	_ =	shalt  }
0x7b: {  	_ =	shalt  }
0x7c: {  	_ =	shalt  }
0x7d: {  	_ =	shalt  }
0x7e: {  	_ =	shalt  }
0x7f: {  	_ =	shalt  }
0x80: {  	_ =	shalt  }
0x81: {  	_ =	shalt  }
0x82: {  	_ =	shalt  }
0x83: {  	_ =	shalt  }
0x84: {  	_ =	shalt  }
0x85: {  	_ =	shalt  }
0x86: {  	_ =	shalt  }
0x87: {  	_ =	shalt  }
.Lfunc_end0:
.L_simem_size_0:
called_computation_lowered:
.L_overlay_start_0:
0x88: {  	s2 =	sld [smem:$0x3FD9]  }
0x89: {  	s3 =	sld [smem:$0x3FFE];
	_ =	sdelay $0x1  }
0x8a: {  	s1 =	srdreg.scid  }
0x8b: {  	s0 =	sand.u32 $0x1, s1  }
0x8c: {  	s17 =	sshll.u32 s0, $0xA;
	s2 =	sadd.s32 s3, s2  }
0x8d: {  	s2 =	sadd.s32 s2, s17  }
0x8e: {  	[smem:$0x3FC6] =	sst s2  }
0x8f: {  	_ = 	snop  }
0x90: {  	s2 =	sld [smem:$0x3FD0];
	(tm) =	ssettm $0x1  }
0x91: {  	s18 =	sld [smem:$0x3FFB];
	_ =	sdelay $0x3  }
0x92: {  	_ =	strace s18  }
0x93: {  	s3 =	sld [smem:$0x3FFC];
	_ =	sdelay $0x3  }
0x94: {  	_ =	strace s3  }
0x95: {  	s3 =	sld [smem:$0x3FFD];
	_ =	sdelay $0x3  }
0x96: {  	_ =	strace s3  }
0x97: {  	_ =	strace $0x8FFFFFFF  }
0x98: {  	s19 =	sld [smem:$0x3FDB];
	_ =	sdelay $0x1  }
0x99: {  	s4 =	simm.s32 $_scs_section_size  }
0x9a: {  	s5 =	simm.s32 $_size__tile_overlayer_lowered;
	s6 =	simm.s32 $_tile_overlayer_lowered  }
0x9b: {  	s22 =	simm.s32 $0x1BFF;
	s21 =	sshll.u32 s6, $0x1;
	s3 =	sadd.s32 s4, s19  }
0x9c: {  	s7 =	simm.s32 $0x0;
	s20 =	sshll.u32 s5, $0x1;
	s5 =	sadd.s32 s21, s3  }
0x9d: {  	[timem:s7], [sflag:s22] =	dma.local [hbm:s5], s20  }
0x9e: {  	_ =	swait.ge [sflag:s22], s20  }
0x9f: {  	s4 =	ssub.s32 $0x0, s20;
	[sflag:s22] =	ssyncset.done $0x0  }
0xa0: {  	[sflag:s22] =	ssyncadd.s32 s4;
	_ =	sdelay $0x1  }
0xa1: {  	s23 =	simm.s32 $0x1B8B  }
0xa2: {  	_ =	swait.ge [sflag:s23], $0x1  }
0xa3: {  	[sflag:s23] =	ssyncset.done $0x0  }
0xa4: {  	s25 =	simm.s32 $0x1B8E;
	s24 =	sld [smem:$0x3FFE];
	[sflag:s23] =	ssyncadd.s32 $0xFFFFFFFF  }
0xa5: {  	s26 =	simm.s32 $execute0_lowered;
	[smem:$0x3FD2] =	sst s25  }
0xa6: {  	s5 =	sshll.u32 s26, $0x1;
	_ =	strace $0x80000046;
	[dreg:$0x1] =	wrdreg $0xFFFFFFFF  }
0xa7: {  	s28 =	simm.s32 $_size_execute0_lowered;
	s3 =	sadd.s32 s3, s5;
	[dreg:$0x0] =	wrdreg $0x0  }
0xa8: {  	s5 =	sshll.u32 s28, $0x1;
	[dreg:$0x2] =	wrdreg s3  }
0xa9: {  	[dreg:$0x3] =	wrdreg s5  }
0xaa: {  	[dreg:$0x4] =	wrdreg $0xC0  }
0xab: {  	_ =	task [dreg:s7], $0x5FFFF  }
0xac: {  	[dreg:$0x1] =	wrdreg $0xFFFFFFFF  }
0xad: {  	[dreg:$0x0] =	wrdreg $0x60  }
0xae: {  	[dreg:$0x2] =	wrdreg s2  }
0xaf: {  	[dreg:$0x3] =	wrdreg s24  }
0xb0: {  	[dreg:$0x4] =	wrdreg $0x9  }
0xb1: {  	_ =	task.clear_ibuf [dreg:s7], $0x5FFFF;
	_ =	strace $0x90000046  }
0xb2: {  	s29 =	simm.s32 $0x9;
	_ =	strace $0x80000048  }
0xb3: {  	_ =	swait.ge [sflag:s29], $0x1  }
0xb4: {  	[sflag:s29] =	ssyncadd.s32 $0xFFFFFFFF  }
0xb5: {  	_ =	strace $0x90000048  }
0xb6: {  	_ =	sfence  }
0xb7: {  	s30 =	sld [smem:$0x0];
	_ =	sdelay $0x2  }
0xb8: {  	s31 =	sshll.u32 s1, $0xD;
	s1 =	sshrl.u32 s1, $0x2  }
0xb9: {  	s3 =	sand.u32 $0x4000, s31;
	s1 =	sadd.s32 s1, s30  }
0xba: {  	s0 =	sor.u32 s3, s0;
	s1 =	sshll.u32 s1, $0x11  }
0xbb: {  	s0 =	sor.u32 s1, s0  }
0xbc: {  	s0 =	sadd.s32 $0x8F2B, s0  }
0xbd: {  	[sflag:s0] =	ssyncadd.remote.s32 $0x1  }
0xbe: {  	_ =	sfence.sel $0xFFFF  }
0xbf: {  	[dreg:$0x0] =	wrdreg $0xFFFFFFFF;
	(pc) =	sbr.abs _section_cstart, $3  }
0xc0: {  	[dreg:$0x1] =	wrdreg $0xFFFFFFFF  }
0xc1: {  	_ =	task.clear_ibuf [dreg:s7], $0x2FFFF;
	_ =	strace $0x9FFFFFFF  }
0xc2: {  	(tm) =	ssettm $0x7FFFFFFF  }
0xc3: {  	_ =	shalt  }
tec
execute0_lowered:
.L_overlay_start_1:
0x0: {  	(tag) =	ssettag $0x1  }
0x1: {  	s1 =	srdreg.scid;
	s0 =	stileid.u32  }
0x2: {  	s6 =	sand.u32 $0x1, s1;
	s31 =	sshll.u32 s0, $0x1  }
0x3: {  	s4 =	rddreg [dreg:$0x0];
	s1 =	sor.u32 s6, s31  }
0x4: {  	s3 =	rddreg [dreg:$0x1];
	s2 =	simm.s32 $0x0;
	s5 =	smul.u32 $0xC, s1  }
0x5: {  	[smem:$0x7FF] =	sst s2  }
0x6: {  	s1 =	rddreg [dreg:$0x2];
	s9 =	sadd.s32 s5, s3  }
0x7: {  	_ =	strace $0x80000047;
	s3 =	simm.s32 $0x2;
	s5 =	sadd.s32 $0x1600, s9  }
0x8: {  	[tilespmem:s2], [sflag:$0x2] =	stream.linear.gather [hbm4b:s5+s2], $0x60, $0x38;
	[tilespmem:$0x480] =	vst v63  }
0x9: {  	_ =	swait.ge [sflag:s3], $0x60  }
0xa: {  	[sflag:s3] =	ssyncset.done $0x0  }
0xb: {  	s10 =	simm.s32 $0x80;
	s8 =	sadd.s32 $0x1800, s9;
	[sflag:s3] =	ssyncadd.s32 $0xFFFFFFA0  }
0xc: {  	[tilespmem:s10], [sflag:$0x2] =	stream.linear.gather [hbm4b:s8+s2], $0x60, $0x38;
	[tilespmem:$0x480] =	vst v63  }
0xd: {  	_ =	swait.ge [sflag:s3], $0x60  }
0xe: {  	[sflag:s3] =	ssyncset.done $0x0  }
0xf: {  	s13 =	simm.s32 $0x100;
	s12 =	sadd.s32 $0x1400, s9;
	[sflag:s3] =	ssyncadd.s32 $0xFFFFFFA0  }
0x10: {  	[tilespmem:s13], [sflag:$0x2] =	stream.linear.gather [hbm4b:s12+s2], $0x60, $0x38;
	[tilespmem:$0x480] =	vst v63  }
0x11: {  	_ =	swait.ge [sflag:s3], $0x60  }
0x12: {  	[sflag:s3] =	ssyncset.done $0x0  }
0x13: {  	[sflag:s3] =	ssyncadd.s32 $0xFFFFFFA0  }
0x14: {  	v0 =	vld [tilespmem:$0x50]  }
0x15: {  	v1 =	vld [tilespmem:$0x0]  }
0x16: {  	v2 =	vld [tilespmem:$0x30]  }
0x17: {  	v4 =	vld [tilespmem:$0x40];
	_ =	sdelay $0x2  }
0x18: {  	v5 =	vld [tilespmem:$0x100]  }
0x19: {  	v6 =	vld [tilespmem:$0x150];
	vm0 =	vgt.s32 v0, $0x0;
	vm1 =	vgt.s32 v1, $0x0  }
0x1a: {  	v8 =	vld [tilespmem:$0x140];
	vm12 =	vgt.s32 v2, $0x0;
	vm14 =	vgt.s32 v4, $0x0;
	v1 =	vnsel vm1, $0x0, v1  }
0x1b: {  	v9 =	vld [tilespmem:$0x130];
	v0 =	vnsel vm0, $0x0, v0;
	v2 =	vnsel vm12, $0x0, v2;
	v1 =	vmin.u32 v1, $0xC7  }
0x1c: {  	v3 =	vld [tilespmem:$0x20];
	v4 =	vnsel vm14, $0x0, v4;
	v0 =	vmin.u32 v0, $0xC7;
	v1 =	vshll.u32 v1, $0x7  }
0x1d: {  	v7 =	vld [tilespmem:$0x10];
	v4 =	vmin.u32 v4, $0xC7;
	v0 =	vshll.u32 v0, $0x7;
	v1 =	vadd.s32 v5, v1  }
0x1e: {  	v2 =	vmin.u32 v2, $0xC7;
	v4 =	vshll.u32 v4, $0x7;
	v0 =	vadd.s32 v6, v0;
	[tilespmem:$0x180] =	vst v1  }
0x1f: {  	v2 =	vshll.u32 v2, $0x7;
	v4 =	vadd.s32 v8, v4;
	[tilespmem:$0x1D0] =	vst v0  }
0x20: {  	v5 =	vld [tilespmem:$0x120];
	v2 =	vadd.s32 v9, v2;
	[tilespmem:$0x1C0] =	vst v4  }
0x21: {  	vm13 =	vgt.s32 v3, $0x0;
	v6 =	vld [tilespmem:$0x110];
	v1 =	vadd.s32 $0x6400, v1;
	[tilespmem:$0x1B0] =	vst v2  }
0x22: {  	vm15 =	vgt.s32 v7, $0x0;
	v3 =	vnsel vm13, $0x0, v3;
	[tilespmem:$0x1E0] =	vst v1;
	v1 =	vadd.s32 $0x6400, v0  }
0x23: {  	v3 =	vmin.u32 v3, $0xC7;
	v2 =	vadd.s32 $0x6400, v2;
	[tilespmem:$0x230] =	vst v1;
	v1 =	vnsel vm15, $0x0, v7  }
0x24: {  	v0 =	vshll.u32 v3, $0x7;
	v3 =	vadd.s32 $0x6400, v4;
	[tilespmem:$0x210] =	vst v2;
	v1 =	vmin.u32 v1, $0xC7  }
0x25: {  	[tilespmem:$0x220] =	vst v3;
	v1 =	vshll.u32 v1, $0x7;
	v0 =	vadd.s32 v5, v0  }
0x26: {  	v1 =	vadd.s32 v6, v1;
	[tilespmem:$0x1A0] =	vst v0  }
0x27: {  	v0 =	vadd.s32 $0x6400, v0;
	[tilespmem:$0x190] =	vst v1  }
0x28: {  	s14 =	simm.s32 $0xC0;
	v1 =	vadd.s32 $0x6400, v1;
	[tilespmem:$0x200] =	vst v0  }
0x29: {  	s15 =	simm.s32 $0x180;
	s16 =	simm.s32 $0x280;
	s17 =	simm.s32 $0x1;
	[tilespmem:$0x1F0] =	vst v1  }
0x2a: {  	[tilespmem:s16], [sflag:$0x1] =	stream.indirect.gather [hbm4b:s4+s14], $0x1, s15, s14, $0xb8;
	[tilespmem:$0x480] =	vst v63  }
0x2b: {  	s6 =	ssub.s32 $0x2, s6;
	_ =	swait.ge [sflag:s17], $0xC0  }
0x2c: {  	s7 =	sshrl.u32 s6, $0x1;
	[sflag:s17] =	ssyncset.done $0x0  }
0x2d: {  	s6 =	ssub.s32 s6, s7;
	[sflag:s17] =	ssyncadd.s32 $0xFFFFFF40  }
0x2e: {  	s18 =	smax.u32 s6, $0x1;
	v1 =	vld [tilespmem:$0x280]  }
0x2f: {  	p0 =	sne.s32 s18, $0x1;
	v4 =	vld [tilespmem:$0x0]  }
.Ltmp0:
0x30: {  	v5 =	vld [tilespmem:$0x2C0];
	(pc) =	sbr.rel @!p0 .LBB2_2-.Ltmp0, $4  }
0x31: {  	v0 =	vld [tilespmem:$0xA0]  }
0x32: {  	v3 =	vld [tilespmem:$0x290]  }
0x33: {  	s11 =	simm.s32 $0x380;
	s7 =	sadd.s32 $0x1A00, s9;
	v2 =	vld [tilespmem:$0xC0]  }
0x34: {  	s6 =	sadd.s32 $0x1C00, s9;
	s9 =	simm.s32 $0x400;
	s18 =	sadd.s32 $0xFFFFFFFF, s18;
	v6 =	vld [tilespmem:$0x2A0]  }
.LBB2_1:
0x35: {  	p0 =	sne.s32 s18, $0x1;
	s18 =	sadd.s32 $0xFFFFFFFF, s18;
	v7 =	vld [tilespmem:$0x10]  }
0x36: {  	v8 =	vld [tilespmem:$0x40]  }
0x37: {  	v9 =	vld [tilespmem:$0x20]  }
0x38: {  	v10 =	vld [tilespmem:$0x90]  }
0x39: {  	v6 =	vmul.f32 v6, v0;
	v11 =	vld [tilespmem:$0x50]  }
0x3a: {  	v5 =	vmul.f32 v5, v2;
	v12 =	vld [tilespmem:$0x80];
	v7 =	vcvt.s32.f32 v7  }
0x3b: {  	v4 =	vcvt.s32.f32 v4;
	vm1 =	vgt.f32 v6, $5.000000000e-01;
	v8 =	vcvt.s32.f32 v8;
	v13 =	vld [tilespmem:$0xD0]  }
0x3c: {  	vm0 =	vgt.f32 v2, $5.000000000e-01;
	vm2 =	vgt.f32 v5, $5.000000000e-01;
	v9 =	vcvt.s32.f32 v9;
	v14 =	vld [tilespmem:$0x2D0]  }
0x3d: {  	vm3 =	vgt.f32 v0, $5.000000000e-01;
	v3 =	vmul.f32 v3, v10;
	vm5 =	vgt.f32 v10, $5.000000000e-01;
	v15 =	vld [tilespmem:$0x30]  }
0x3e: {  	vm0 =	vmand vm0, vm2;
	v16 =	vld [tilespmem:$0x300];
	v17 =	vmul.f32 $4.500000000e+01, v9;
	v11 =	vcvt.s32.f32 v11  }
0x3f: {  	v2 =	vsel vm0, v5, v2;
	v19 =	vmul.f32 $4.500000000e+01, v8;
	v1 =	vmul.f32 v1, v12;
	v18 =	vld [tilespmem:$0x2E0]  }
0x40: {  	v5 =	vmul.f32 $4.500000000e+01, v4;
	vm2 =	vgt.f32 v3, $5.000000000e-01;
	v20 =	vld [tilespmem:$0x330];
	vm4 =	vgt.f32 v13, $5.000000000e-01  }
0x41: {  	vm2 =	vmand vm5, vm2;
	v17 =	vadd.f32 $2.000000000e+02, v17;
	v22 =	vmul.f32 $4.500000000e+01, v11;
	v21 =	vld [tilespmem:$0xB0]  }
0x42: {  	v5 =	vadd.f32 $2.000000000e+02, v5;
	v3 =	vsel vm2, v3, v10;
	v10 =	vcvt.s32.f32 v15;
	v15 =	vld [tilespmem:$0x2B0]  }
0x43: {  	v19 =	vadd.f32 $2.000000000e+02, v19;
	vm5 =	vgt.f32 v1, $5.000000000e-01;
	[tilespmem:$0x440] =	vst v2;
	v2 =	vadd.f32 $2.000000000e+02, v22  }
0x44: {  	vm6 =	vgt.f32 v12, $5.000000000e-01;
	v5 =	vadd.f32 v18, v5;
	[tilespmem:$0x410] =	vst v3;
	v3 =	vadd.f32 v16, v17;
	v16 =	vld [tilespmem:$0x320]  }
0x45: {  	vm5 =	vmand vm6, vm5;
	v18 =	vmul.f32 $4.500000000e+01, v10;
	v17 =	vld [tilespmem:$0x310];
	v2 =	vadd.f32 v20, v2  }
0x46: {  	v1 =	vsel vm5, v1, v12;
	v12 =	vmul.f32 v14, v13;
	v4 =	vsel vm5, v5, v4;
	v5 =	vld [tilespmem:$0x2F0]  }
0x47: {  	vm1 =	vmand vm3, vm1;
	v14 =	vadd.f32 $2.000000000e+02, v18;
	[tilespmem:$0x380] =	vst v4;
	v4 =	vmul.f32 $4.500000000e+01, v7  }
0x48: {  	v0 =	vsel vm1, v6, v0;
	v3 =	vsel vm1, v3, v9;
	vm1 =	vgt.f32 v12, $5.000000000e-01  }
0x49: {  	vm1 =	vmand vm4, vm1;
	[tilespmem:$0x400] =	vst v1;
	v1 =	vadd.f32 $2.000000000e+02, v4;
	v4 =	vadd.f32 v16, v19  }
0x4a: {  	v2 =	vsel vm1, v2, v11;
	[tilespmem:$0x420] =	vst v0;
	v0 =	vmul.f32 v15, v21;
	v6 =	vadd.f32 v17, v14  }
0x4b: {  	v1 =	vadd.f32 v5, v1;
	v4 =	vsel vm0, v4, v8;
	[tilespmem:$0x3D0] =	vst v2;
	v2 =	vsel vm1, v12, v13  }
0x4c: {  	vm0 =	vgt.f32 v21, $5.000000000e-01;
	vm1 =	vgt.f32 v0, $5.000000000e-01;
	[tilespmem:$0x3C0] =	vst v4  }
0x4d: {  	v1 =	vsel vm2, v1, v7;
	vm0 =	vmand vm0, vm1;
	[tilespmem:$0x450] =	vst v2  }
0x4e: {  	[tilespmem:$0x3A0] =	vst v3;
	v2 =	vsel vm0, v6, v10;
	v0 =	vsel vm0, v0, v21  }
0x4f: {  	[tilespmem:$0x430] =	vst v0  }
0x50: {  	[tilespmem:$0x3B0] =	vst v2  }
0x51: {  	[tilespmem:$0x390] =	vst v1  }
0x52: {  	[hbm4b:s7+s2] =	stream.linear.scatter [tilespmem:s11], [sflag:$0x2], $0x60, $0x38;
	[tilespmem:$0x480] =	vst v63  }
0x53: {  	_ =	swait.ge [sflag:s3], $0x60  }
0x54: {  	[sflag:s3] =	ssyncset.done $0x0  }
0x55: {  	[sflag:s3] =	ssyncadd.s32 $0xFFFFFFA0  }
0x56: {  	[hbm4b:s6+s2] =	stream.linear.scatter [tilespmem:s9], [sflag:$0x2], $0x60, $0x38;
	[tilespmem:$0x480] =	vst v63  }
0x57: {  	_ =	swait.ge [sflag:s3], $0x60  }
0x58: {  	[sflag:s3] =	ssyncset.done $0x0  }
0x59: {  	[sflag:s3] =	ssyncadd.s32 $0xFFFFFFA0  }
0x5a: {  	[tilespmem:s2], [sflag:$0x2] =	stream.linear.gather [hbm4b:s5+s2], $0x60, $0x38;
	[tilespmem:$0x480] =	vst v63  }
0x5b: {  	_ =	swait.ge [sflag:s3], $0x60  }
0x5c: {  	[sflag:s3] =	ssyncset.done $0x0  }
0x5d: {  	[sflag:s3] =	ssyncadd.s32 $0xFFFFFFA0  }
0x5e: {  	[tilespmem:s10], [sflag:$0x2] =	stream.linear.gather [hbm4b:s8+s2], $0x60, $0x38;
	[tilespmem:$0x480] =	vst v63  }
0x5f: {  	_ =	swait.ge [sflag:s3], $0x60  }
0x60: {  	[sflag:s3] =	ssyncset.done $0x0  }
0x61: {  	[sflag:s3] =	ssyncadd.s32 $0xFFFFFFA0  }
0x62: {  	[tilespmem:s13], [sflag:$0x2] =	stream.linear.gather [hbm4b:s12+s2], $0x60, $0x38;
	[tilespmem:$0x480] =	vst v63  }
0x63: {  	_ =	swait.ge [sflag:s3], $0x60  }
0x64: {  	[sflag:s3] =	ssyncset.done $0x0  }
0x65: {  	[sflag:s3] =	ssyncadd.s32 $0xFFFFFFA0  }
0x66: {  	v0 =	vld [tilespmem:$0x130]  }
0x67: {  	v1 =	vld [tilespmem:$0x50]  }
0x68: {  	v2 =	vld [tilespmem:$0x0]  }
0x69: {  	v3 =	vld [tilespmem:$0x30]  }
0x6a: {  	v4 =	vld [tilespmem:$0x10]  }
0x6b: {  	v5 =	vld [tilespmem:$0x20]  }
0x6c: {  	v6 =	vld [tilespmem:$0x40];
	vm0 =	vgt.s32 v1, $0x0  }
0x6d: {  	v7 =	vld [tilespmem:$0x100];
	v1 =	vnsel vm0, $0x0, v1  }
0x6e: {  	vm0 =	vgt.s32 v2, $0x0;
	vm1 =	vgt.s32 v3, $0x0;
	v1 =	vmin.u32 v1, $0xC7;
	v8 =	vld [tilespmem:$0x150]  }
0x6f: {  	v2 =	vnsel vm0, $0x0, v2;
	v9 =	vld [tilespmem:$0x110];
	v3 =	vnsel vm1, $0x0, v3  }
0x70: {  	v2 =	vmin.u32 v2, $0xC7;
	v1 =	vshll.u32 v1, $0x7;
	vm0 =	vgt.s32 v5, $0x0;
	v10 =	vld [tilespmem:$0x140]  }
0x71: {  	v2 =	vshll.u32 v2, $0x7;
	v5 =	vnsel vm0, $0x0, v5;
	vm0 =	vgt.s32 v6, $0x0  }
0x72: {  	v2 =	vadd.s32 v7, v2;
	v5 =	vmin.u32 v5, $0xC7;
	v6 =	vnsel vm0, $0x0, v6  }
0x73: {  	[tilespmem:$0x180] =	vst v2;
	v2 =	vadd.s32 $0x6400, v2;
	v7 =	vld [tilespmem:$0x120];
	v6 =	vmin.u32 v6, $0xC7;
	v1 =	vadd.s32 v8, v1  }
0x74: {  	vm0 =	vgt.s32 v4, $0x0;
	[tilespmem:$0x1E0] =	vst v2;
	v2 =	vshll.u32 v5, $0x7;
	v5 =	vadd.s32 $0x6400, v1  }
0x75: {  	v3 =	vmin.u32 v3, $0xC7;
	v4 =	vnsel vm0, $0x0, v4;
	v6 =	vshll.u32 v6, $0x7;
	[tilespmem:$0x230] =	vst v5  }
0x76: {  	v3 =	vshll.u32 v3, $0x7;
	v4 =	vmin.u32 v4, $0xC7;
	v5 =	vadd.s32 v10, v6;
	[tilespmem:$0x1D0] =	vst v1  }
0x77: {  	v0 =	vadd.s32 v0, v3;
	v1 =	vshll.u32 v4, $0x7;
	v3 =	vadd.s32 $0x6400, v5;
	[tilespmem:$0x1C0] =	vst v5  }
0x78: {  	v1 =	vadd.s32 v9, v1;
	v2 =	vadd.s32 v7, v2;
	[tilespmem:$0x1B0] =	vst v0  }
0x79: {  	v4 =	vadd.s32 $0x6400, v1;
	v0 =	vadd.s32 $0x6400, v0;
	[tilespmem:$0x1A0] =	vst v2;
	v2 =	vadd.s32 $0x6400, v2  }
0x7a: {  	[tilespmem:$0x190] =	vst v1  }
0x7b: {  	[tilespmem:$0x210] =	vst v0  }
0x7c: {  	[tilespmem:$0x220] =	vst v3  }
0x7d: {  	[tilespmem:$0x200] =	vst v2  }
0x7e: {  	[tilespmem:$0x1F0] =	vst v4  }
0x7f: {  	[tilespmem:s16], [sflag:$0x1] =	stream.indirect.gather [hbm4b:s4+s14], $0x1, s15, s14, $0xb8;
	[tilespmem:$0x480] =	vst v63  }
0x80: {  	_ =	swait.ge [sflag:s17], $0xC0  }
0x81: {  	[sflag:s17] =	ssyncset.done $0x0  }
0x82: {  	[sflag:s17] =	ssyncadd.s32 $0xFFFFFF40  }
0x83: {  	v1 =	vld [tilespmem:$0x280]  }
0x84: {  	v4 =	vld [tilespmem:$0x0]  }
.Ltmp1:
0x85: {  	v5 =	vld [tilespmem:$0x2C0];
	(pc) =	sbr.rel @p0 .LBB2_1-.Ltmp1, $4  }
0x86: {  	v0 =	vld [tilespmem:$0xA0]  }
0x87: {  	v3 =	vld [tilespmem:$0x290]  }
0x88: {  	v2 =	vld [tilespmem:$0xC0]  }
0x89: {  	v6 =	vld [tilespmem:$0x2A0]  }
.LBB2_2:
0x8a: {  	v7 =	vld [tilespmem:$0x10]  }
0x8b: {  	v8 =	vld [tilespmem:$0x40]  }
0x8c: {  	v9 =	vld [tilespmem:$0x20]  }
0x8d: {  	v10 =	vld [tilespmem:$0x90]  }
0x8e: {  	v11 =	vld [tilespmem:$0x50]  }
0x8f: {  	v12 =	vld [tilespmem:$0x80]  }
0x90: {  	v13 =	vld [tilespmem:$0xD0]  }
0x91: {  	v4 =	vcvt.s32.f32 v4;
	v14 =	vld [tilespmem:$0x30]  }
0x92: {  	v17 =	vld [tilespmem:$0x2D0]  }
0x93: {  	v21 =	vld [tilespmem:$0xB0];
	vm3 =	vgt.f32 v0, $5.000000000e-01;
	v18 =	vmul.f32 $4.500000000e+01, v4  }
0x94: {  	v49 =	vld [tilespmem:$0x2B0];
	v5 =	vmul.f32 v5, v2;
	vm0 =	vgt.f32 v2, $5.000000000e-01;
	v6 =	vmul.f32 v6, v0  }
0x95: {  	v16 =	vld [tilespmem:$0x2E0];
	v18 =	vadd.f32 $2.000000000e+02, v18;
	v7 =	vcvt.s32.f32 v7;
	v8 =	vcvt.s32.f32 v8  }
0x96: {  	v9 =	vcvt.s32.f32 v9;
	vm2 =	vgt.f32 v5, $5.000000000e-01;
	v3 =	vmul.f32 v3, v10  }
0x97: {  	vm4 =	vgt.f32 v10, $5.000000000e-01;
	v11 =	vcvt.s32.f32 v11;
	v1 =	vmul.f32 v1, v12  }
0x98: {  	vm5 =	vgt.f32 v13, $5.000000000e-01;
	v46 =	vcvt.s32.f32 v14;
	vm6 =	vgt.f32 v12, $5.000000000e-01  }
0x99: {  	v17 =	vmul.f32 v17, v13;
	v58 =	vmul.f32 v49, v21;
	vm13 =	vgt.f32 v21, $5.000000000e-01  }
0x9a: {  	vm1 =	vgt.f32 v6, $5.000000000e-01;
	vm2 =	vmand vm0, vm2;
	v47 =	vadd.f32 v16, v18  }
0x9b: {  	v15 =	vmul.f32 $4.500000000e+01, v9;
	v20 =	vmul.f32 $4.500000000e+01, v8;
	v44 =	vsel vm2, v5, v2  }
0x9c: {  	vm10 =	vgt.f32 v3, $5.000000000e-01;
	v22 =	vmul.f32 $4.500000000e+01, v11;
	vm11 =	vgt.f32 v1, $5.000000000e-01  }
0x9d: {  	v45 =	vld [tilespmem:$0x330];
	v50 =	vmul.f32 $4.500000000e+01, v46;
	v53 =	vmul.f32 $4.500000000e+01, v7;
	vm1 =	vmand vm3, vm1  }
0x9e: {  	v48 =	vld [tilespmem:$0x320];
	vm12 =	vgt.f32 v17, $5.000000000e-01;
	vm0 =	vmand vm4, vm10;
	[tilespmem:$0x440] =	vst v44;
	v55 =	vsel vm1, v6, v0  }
0x9f: {  	v19 =	vld [tilespmem:$0x300];
	vm14 =	vgt.f32 v58, $5.000000000e-01;
	vm4 =	vmand vm6, vm11;
	v3 =	vsel vm0, v3, v10;
	[tilespmem:$0x420] =	vst v55  }
0xa0: {  	v52 =	vld [tilespmem:$0x310];
	vm3 =	vmand vm5, vm12;
	v22 =	vadd.f32 $2.000000000e+02, v22;
	v4 =	vsel vm4, v47, v4;
	[tilespmem:$0x410] =	vst v3  }
0xa1: {  	v54 =	vld [tilespmem:$0x2F0];
	vm15 =	vmand vm13, vm14;
	v20 =	vadd.f32 $2.000000000e+02, v20;
	v1 =	vsel vm4, v1, v12;
	[tilespmem:$0x380] =	vst v4  }
0xa2: {  	v15 =	vadd.f32 $2.000000000e+02, v15;
	v59 =	vsel vm3, v17, v13;
	[tilespmem:$0x400] =	vst v1;
	v51 =	vadd.f32 v45, v22  }
0xa3: {  	v2 =	vadd.f32 $2.000000000e+02, v50;
	v0 =	vsel vm15, v58, v21;
	[tilespmem:$0x450] =	vst v59;
	v56 =	vadd.f32 v48, v20  }
0xa4: {  	v4 =	vadd.f32 $2.000000000e+02, v53;
	[tilespmem:$0x430] =	vst v0;
	v57 =	vadd.f32 v19, v15;
	v3 =	vsel vm3, v51, v11  }
0xa5: {  	v2 =	vadd.f32 v52, v2;
	v1 =	vsel vm2, v56, v8;
	[tilespmem:$0x3D0] =	vst v3  }
0xa6: {  	v61 =	vadd.f32 v54, v4;
	v60 =	vsel vm1, v57, v9;
	[tilespmem:$0x3C0] =	vst v1  }
0xa7: {  	v62 =	vsel vm15, v2, v46;
	[tilespmem:$0x3A0] =	vst v60  }
0xa8: {  	v63 =	vsel vm0, v61, v7;
	[tilespmem:$0x3B0] =	vst v62  }
0xa9: {  	[tilespmem:$0x390] =	vst v63  }
0xaa: {  	[hbm4b:s7+s2] =	stream.linear.scatter [tilespmem:s11], [sflag:$0x2], $0x60, $0x38;
	[tilespmem:$0x480] =	vst v63  }
0xab: {  	_ =	swait.ge [sflag:s3], $0x60  }
0xac: {  	[sflag:s3] =	ssyncset.done $0x0  }
0xad: {  	[sflag:s3] =	ssyncadd.s32 $0xFFFFFFA0  }
0xae: {  	[hbm4b:s6+s2] =	stream.linear.scatter [tilespmem:s9], [sflag:$0x2], $0x60, $0x38;
	[tilespmem:$0x480] =	vst v63  }
0xaf: {  	_ =	swait.ge [sflag:s3], $0x60  }
0xb0: {  	[sflag:s3] =	ssyncset.done $0x0  }
0xb1: {  	[sflag:s3] =	ssyncadd.s32 $0xFFFFFFA0  }
0xb2: {  	_ =	sfence.sel $0x180000  }
0xb3: {  	[bflag:$0x0] =	sbarrier.arrive $0xFFFF  }
0xb4: {  	p0 =	sne.s32 s0, $0x0;
	_ =	strace $0x90000047  }
0xb5: {  	s0 =	sadd.s32 @!p0 $0x100000, s1;
	[bflag:$0x2] =	sbarrier.arrive $0xFFFF  }
0xb6: {  	[sflag:s0] =	ssyncadd.tile.s32 @!p0 $0x1;
	_ =	shalt  }
.Lfunc_end2:
_tile_overlayer_lowered:
.L_overlay_start_2:
0xb7: {  	(tag) =	ssettag $0x2  }
0xb8: {  	s0 =	rddreg [dreg:$0x0];
	s2 =	stileid.u32  }
0xb9: {  	s1 =	rddreg [dreg:$0x1];
	p0 =	sne.s32 s2, $0x0  }
0xba: {  	s3 =	rddreg [dreg:$0x2];
	[bflag:$0x3] =	sbarrier.arrive $0xFFFF;
	s2 =	simm.s32 @!p0 $0x1C02  }
0xbb: {  	[timem:s3], [sflag:s2] =	dma.local @!p0 [hbm:s0], s1  }
0xbc: {  	s0 =	simm.s32 @!p0 $0x2  }
0xbd: {  	_ =	swait.ge @!p0 [sflag:s0], s1  }
0xbe: {  	s1 =	ssub.s32 @!p0 $0x0, s1;
	[sflag:s0] =	ssyncset.done @!p0 $0x0  }
0xbf: {  	[sflag:s0] =	ssyncadd.s32 @!p0 s1  }
0xc0: {  	[bflag:$0x3] =	sbarrier.arrive $0xFFFF  }
0xc1: {  	_ =	shalt  }

</sc_bundles>
